<compile_context>
chip_gen: v7x
topology: tpu7x:2x2x1
jax: 0.10.2.dev20260603
libtpu: 0.0.44.dev20260713+nightly
codegen_flags: <defaults>
</compile_context>

<pallas_src>
import functools
import math

import jax
import jax.numpy as jnp
from jax import lax
from jax.experimental import pallas as pl
from jax.experimental.pallas import tpu as pltpu
from jax.experimental.pallas import tpu_sc as plsc

N = 10000
E = 160000
H = 256
HH = 128
NT_PAD = 32

NS = 16
GROUP = 128
GROUPS = 80
EPAD = NS * GROUPS * GROUP
NPAD = 10112
ROWS_PER_SUB = NPAD // NS

f32 = jnp.float32



def _fuse_body(ts_ref, dt_ref, clause_ref, Wt_ref, bt_ref, emb_ref,
               W1a_ref, W1b_ref, W1c_ref, bf1_ref, Wf2_ref, bf2_ref,
               g_ref, be_ref, xlo_ref, xhi_ref):
    B = clause_ref.shape[0]
    clause = clause_ref[...]
    ts = ts_ref[...]
    idx = lax.broadcasted_iota(jnp.int32, (1, 16), 1).astype(f32)
    freqs = jnp.exp((-math.log(10000.0) / 16.0) * idx)
    ang = ts * freqs
    pe = jnp.concatenate([jnp.sin(ang), jnp.cos(ang)], axis=1)
    t_enc = jnp.dot(pe, Wt_ref[...], preferred_element_type=f32) + bt_ref[...]
    types = dt_ref[...]
    oh = (lax.broadcasted_iota(jnp.int32, (B, NT_PAD), 1) == types).astype(f32)
    d_enc = jnp.dot(oh, emb_ref[...], preferred_element_type=f32)
    h = (jnp.dot(clause, W1a_ref[...], preferred_element_type=f32)
         + jnp.dot(t_enc, W1b_ref[...], preferred_element_type=f32)
         + jnp.dot(d_enc, W1c_ref[...], preferred_element_type=f32)
         + bf1_ref[...])
    fused = jnp.dot(jnp.maximum(h, 0.0), Wf2_ref[...],
                    preferred_element_type=f32) + bf2_ref[...]
    r = clause + fused
    mu = jnp.mean(r, axis=1, keepdims=True)
    var = jnp.mean((r - mu) ** 2, axis=1, keepdims=True)
    xo = (r - mu) * lax.rsqrt(var + 1e-5) * g_ref[...] + be_ref[...]
    xlo_ref[...] = xo[:, :HH]
    xhi_ref[...] = xo[:, HH:]


def _fuse(ts, dt, clause, Wt, bt, emb_p, W1a, W1b, W1c, bf1, Wf2, bf2, g, be):
    B = 1000
    grid = (N // B,)
    row = lambda i: (i, 0)
    rep = lambda i: (0, 0)
    return pl.pallas_call(
        _fuse_body,
        grid=grid,
        in_specs=[
            pl.BlockSpec((B, 1), row),
            pl.BlockSpec((B, 1), row),
            pl.BlockSpec((B, H), row),
            pl.BlockSpec((32, H), rep),
            pl.BlockSpec((1, H), rep),
            pl.BlockSpec((NT_PAD, H), rep),
            pl.BlockSpec((H, H), rep),
            pl.BlockSpec((H, H), rep),
            pl.BlockSpec((H, H), rep),
            pl.BlockSpec((1, H), rep),
            pl.BlockSpec((H, H), rep),
            pl.BlockSpec((1, H), rep),
            pl.BlockSpec((1, H), rep),
            pl.BlockSpec((1, H), rep),
        ],
        out_specs=[pl.BlockSpec((B, HH), row), pl.BlockSpec((B, HH), row)],
        out_shape=[jax.ShapeDtypeStruct((N, HH), f32),
                   jax.ShapeDtypeStruct((N, HH), f32)],
    )(ts, dt, clause, Wt, bt, emb_p, W1a, W1b, W1c, bf1, Wf2, bf2, g, be)



@functools.cache
def _make_cnt():
    mesh = plsc.VectorSubcoreMesh(core_axis_name="c", subcore_axis_name="s")
    out_type = [jax.ShapeDtypeStruct((2 * NPAD, HH), f32)]
    NB = 4
    CG = GROUPS // 2
    QUADS = CG // NB
    scratch_types = (
        [pltpu.VMEM((GROUP,), jnp.int32)] * NB +
        [pltpu.VMEM((GROUP, HH), f32),
         pltpu.VMEM_SHARED((NPAD, HH), f32)] +
        [pltpu.SemaphoreType.DMA] * (2 * NB)
    )

    def body(dstr_hbm, ones_hbm, zA_hbm, cnt_hbm, *rest):
        ids = rest[:NB]
        onesv, cnt_sh = rest[NB:NB + 2]
        si = rest[NB + 2:NB + 2 + NB]
        sc = rest[NB + 2 + NB:]
        cid = lax.axis_index("c")
        sid = lax.axis_index("s")
        wid = cid * NS + sid
        rbase = pl.multiple_of(sid * ROWS_PER_SUB, 8)
        obase = pl.multiple_of(cid * NPAD + sid * ROWS_PER_SUB, 8)
        pltpu.sync_copy(zA_hbm.at[pl.ds(rbase, ROWS_PER_SUB)],
                        cnt_sh.at[pl.ds(rbase, ROWS_PER_SUB)])
        pltpu.sync_copy(ones_hbm, onesv)
        plsc.subcore_barrier()

        def dst_slice(g):
            base = pl.multiple_of((wid * CG + g) * GROUP, 8)
            return dstr_hbm.at[pl.ds(base, GROUP)]

        for m in range(NB):
            pltpu.async_copy(dst_slice(m), ids[m], si[m])

        def loop(k, _):
            g = NB * k
            for m in range(NB):
                pltpu.make_async_copy(dst_slice(g + m), ids[m], si[m]).wait()
                pltpu.async_copy(onesv, cnt_sh.at[ids[m]], sc[m], add=True)

            @pl.when(k < QUADS - 1)
            def _():
                for m in range(NB):
                    pltpu.make_async_copy(onesv, cnt_sh.at[ids[m]],
                                          sc[m]).wait()
                    pltpu.async_copy(dst_slice(g + NB + m), ids[m], si[m])
            return 0

        lax.fori_loop(0, QUADS, loop, 0)
        for m in range(NB):
            pltpu.make_async_copy(onesv, cnt_sh.at[ids[m]], sc[m]).wait()
        plsc.subcore_barrier()
        pltpu.sync_copy(cnt_sh.at[pl.ds(rbase, ROWS_PER_SUB)],
                        cnt_hbm.at[pl.ds(obase, ROWS_PER_SUB)])

    return pl.kernel(body, out_type=out_type, mesh=mesh,
                     scratch_types=scratch_types)


def _cnt_kernel(*a):
    return _make_cnt()(*a)



@functools.cache
def _make_seg():
    mesh = plsc.VectorSubcoreMesh(core_axis_name="c", subcore_axis_name="s")
    out_type = [jax.ShapeDtypeStruct((2 * NPAD, HH), f32)]
    scratch_types = [
        pltpu.VMEM((GROUPS, GROUP), jnp.int32),
        pltpu.VMEM((GROUP,), jnp.int32),
        pltpu.VMEM((GROUP,), jnp.int32),
        pltpu.VMEM((GROUP, HH), f32),
        pltpu.VMEM((GROUP, HH), f32),
        pltpu.VMEM_SHARED((NPAD, HH), f32),
        pltpu.SemaphoreType.DMA,
        pltpu.SemaphoreType.DMA,
        pltpu.SemaphoreType.DMA,
        pltpu.SemaphoreType.DMA,
    ]

    def body(xst_hbm, srcr2_hbm, dstr_hbm, zA_hbm, aggst_hbm,
             srcv, dsta, dstb, bufa, bufb, agg_sh, sa, sb, sda, sdb):
        cid = lax.axis_index("c")
        sid = lax.axis_index("s")
        rbase = pl.multiple_of(sid * ROWS_PER_SUB, 8)
        obase = pl.multiple_of(cid * NPAD + sid * ROWS_PER_SUB, 8)

        pltpu.sync_copy(zA_hbm.at[pl.ds(rbase, ROWS_PER_SUB)],
                        agg_sh.at[pl.ds(rbase, ROWS_PER_SUB)])
        sbase = pl.multiple_of((cid * NS + sid) * GROUPS, 8)
        pltpu.sync_copy(srcr2_hbm.at[pl.ds(sbase, GROUPS)], srcv)
        plsc.subcore_barrier()

        def dst_slice(g):
            dbase = pl.multiple_of((sid * GROUPS + g) * GROUP, 8)
            return dstr_hbm.at[pl.ds(dbase, GROUP)]

        pltpu.async_copy(dst_slice(0), dsta, sda)
        pltpu.async_copy(xst_hbm.at[srcv.at[0]], bufa, sa)
        pltpu.async_copy(dst_slice(1), dstb, sdb)
        pltpu.async_copy(xst_hbm.at[srcv.at[1]], bufb, sb)

        def loop(k, _):
            g0 = 2 * k
            pltpu.make_async_copy(dst_slice(g0), dsta, sda).wait()
            pltpu.make_async_copy(xst_hbm.at[srcv.at[g0]], bufa, sa).wait()
            pltpu.sync_copy(bufa, agg_sh.at[dsta], add=True)

            @pl.when(g0 + 2 < GROUPS)
            def _():
                pltpu.async_copy(dst_slice(g0 + 2), dsta, sda)
                pltpu.async_copy(xst_hbm.at[srcv.at[g0 + 2]], bufa, sa)

            pltpu.make_async_copy(dst_slice(g0 + 1), dstb, sdb).wait()
            pltpu.make_async_copy(xst_hbm.at[srcv.at[g0 + 1]], bufb, sb).wait()
            pltpu.sync_copy(bufb, agg_sh.at[dstb], add=True)

            @pl.when(g0 + 3 < GROUPS)
            def _():
                pltpu.async_copy(dst_slice(g0 + 3), dstb, sdb)
                pltpu.async_copy(xst_hbm.at[srcv.at[g0 + 3]], bufb, sb)
            return 0

        lax.fori_loop(0, GROUPS // 2, loop, 0)
        plsc.subcore_barrier()
        pltpu.sync_copy(agg_sh.at[pl.ds(rbase, ROWS_PER_SUB)],
                        aggst_hbm.at[pl.ds(obase, ROWS_PER_SUB)])

    return pl.kernel(body, out_type=out_type, mesh=mesh,
                     scratch_types=scratch_types)


def _seg_kernel(*a):
    return _make_seg()(*a)



def _mp_body(xlo_ref, xhi_ref, alo_ref, ahi_ref, c0_ref, c1_ref,
             Wxl_ref, Wxh_ref, Wal_ref, Wah_ref, bm_ref, g_ref, be_ref,
             *out_refs):
    xlo = xlo_ref[...]
    xhi = xhi_ref[...]
    cnt = c0_ref[0][:, 0:1] + c1_ref[0][:, 0:1]
    inv = 1.0 / jnp.maximum(cnt, 1.0)
    alo = alo_ref[0] * inv
    ahi = ahi_ref[0] * inv
    h = (jnp.dot(xlo, Wxl_ref[...], preferred_element_type=f32)
         + jnp.dot(xhi, Wxh_ref[...], preferred_element_type=f32)
         + jnp.dot(alo, Wal_ref[...], preferred_element_type=f32)
         + jnp.dot(ahi, Wah_ref[...], preferred_element_type=f32)
         + bm_ref[...])
    x = jnp.concatenate([xlo, xhi], axis=1)
    r = x + jnp.maximum(h, 0.0)
    mu = jnp.mean(r, axis=1, keepdims=True)
    var = jnp.mean((r - mu) ** 2, axis=1, keepdims=True)
    xo = (r - mu) * lax.rsqrt(var + 1e-5) * g_ref[...] + be_ref[...]
    if len(out_refs) == 1:
        out_refs[0][...] = xo
    else:
        out_refs[0][...] = xo[:, :HH]
        out_refs[1][...] = xo[:, HH:]


def _mp(xlo, xhi, agg3, cnt3, Wxl, Wxh, Wal, Wah, bm, g, be, final):
    B = 1000
    grid = (N // B,)
    row = lambda i: (i, 0)
    rep = lambda i: (0, 0)
    lo3 = lambda i: (0, i, 0)
    hi3 = lambda i: (1, i, 0)
    if final:
        out_specs = [pl.BlockSpec((B, H), row)]
        out_shape = [jax.ShapeDtypeStruct((N, H), f32)]
    else:
        out_specs = [pl.BlockSpec((B, HH), row), pl.BlockSpec((B, HH), row)]
        out_shape = [jax.ShapeDtypeStruct((N, HH), f32),
                     jax.ShapeDtypeStruct((N, HH), f32)]
    return pl.pallas_call(
        _mp_body,
        grid=grid,
        in_specs=[
            pl.BlockSpec((B, HH), row),
            pl.BlockSpec((B, HH), row),
            pl.BlockSpec((1, B, HH), lo3),
            pl.BlockSpec((1, B, HH), hi3),
            pl.BlockSpec((1, B, HH), lo3),
            pl.BlockSpec((1, B, HH), hi3),
            pl.BlockSpec((HH, H), rep),
            pl.BlockSpec((HH, H), rep),
            pl.BlockSpec((HH, H), rep),
            pl.BlockSpec((HH, H), rep),
            pl.BlockSpec((1, H), rep),
            pl.BlockSpec((1, H), rep),
            pl.BlockSpec((1, H), rep),
        ],
        out_specs=out_specs,
        out_shape=out_shape,
    )(xlo, xhi, agg3, agg3, cnt3, cnt3, Wxl, Wxh, Wal, Wah, bm, g, be)



def kernel(clause_reprs, timestamps, deriv_types, derivation_edges, W_t, b_t,
           emb, W_f1, b_f1, W_f2, b_f2, g_in, be_in, W_m0, bm0, g0, be0,
           W_m1, bm1, g1, be1):
    ts = timestamps.reshape(N, 1).astype(f32)
    dt = deriv_types.reshape(N, 1).astype(jnp.int32)
    emb_p = jnp.zeros((NT_PAD, H), f32).at[:emb.shape[0]].set(emb)
    W1a = W_f1[0:H]
    W1b = W_f1[H:2 * H]
    W1c = W_f1[2 * H:3 * H]
    row2 = lambda v: v.reshape(1, H)

    edges = derivation_edges.astype(jnp.int32)
    ar = jnp.arange(EPAD - E, dtype=jnp.int32)
    src_pad = ar % N
    dst_pad = N + ar % (NPAD - N)
    srcp = jnp.concatenate([edges[0], src_pad])
    dstp = jnp.concatenate([edges[1], dst_pad])
    srcr2 = jnp.concatenate([srcp, srcp + N]).reshape(2 * NS * GROUPS, GROUP)
    zA = jnp.zeros((NPAD, HH), f32)
    onesA = jnp.ones((GROUP, HH), f32)

    cnt3 = _cnt_kernel(dstp, onesA, zA)[0].reshape(2, NPAD, HH)
    xlo, xhi = _fuse(ts, dt, clause_reprs, W_t, row2(b_t), emb_p, W1a, W1b,
                     W1c, row2(b_f1), W_f2, row2(b_f2), row2(g_in),
                     row2(be_in))

    xst = jnp.concatenate([xlo, xhi], axis=0)
    agg3 = _seg_kernel(xst, srcr2, dstp, zA)[0].reshape(2, NPAD, HH)
    xlo, xhi = _mp(xlo, xhi, agg3, cnt3,
                   W_m0[0:HH], W_m0[HH:H], W_m0[H:H + HH], W_m0[H + HH:2 * H],
                   row2(bm0), row2(g0), row2(be0), final=False)

    xst = jnp.concatenate([xlo, xhi], axis=0)
    agg3 = _seg_kernel(xst, srcr2, dstp, zA)[0].reshape(2, NPAD, HH)
    out = _mp(xlo, xhi, agg3, cnt3,
              W_m1[0:HH], W_m1[HH:H], W_m1[H:H + HH], W_m1[H + HH:2 * H],
              row2(bm1), row2(g1), row2(be1), final=True)
    return out[0]

# --- scband reference (transcript-rebuilt; emitter-appended) ---
"""Pipeline reference for scband-proof-level-mpn-39084202393962 (READ-ONLY COPY).

The authoritative reference and input builder live on the scoring server;
editing this copy changes nothing except your own understanding.
"""

import jax, jax.numpy as jnp
import numpy as np
import math

N = 10000
E = 160000
H = 256
T = 32
NT = 22


def _ln(x, g, b, eps=1e-5):
    mu = jnp.mean(x, axis=-1, keepdims=True)
    var = jnp.var(x, axis=-1, keepdims=True)
    return (x - mu) / jnp.sqrt(var + eps) * g + b


def setup_inputs(seed: int = 0) -> dict:
    key = jax.random.key(seed)
    ks = jax.random.split(key, 16)
    inp = {}
    inp['clause_reprs'] = jax.random.normal(ks[0], (N, H), dtype=jnp.float32)
    inp['timestamps'] = jax.random.uniform(ks[1], (N,), dtype=jnp.float32)
    inp['deriv_types'] = jax.random.randint(ks[2], (N,), 0, NT)
    inp['derivation_edges'] = jax.random.randint(ks[3], (2, E), 0, N)
    # TemporalPositionEncoder projection
    inp['W_t'] = jax.random.normal(ks[4], (T, H), dtype=jnp.float32) * 0.05
    inp['b_t'] = jnp.zeros((H,), dtype=jnp.float32)
    # DerivationEncoder embedding table
    inp['emb'] = jax.random.normal(ks[5], (NT, H), dtype=jnp.float32) * 0.05
    # input_fusion: Linear(3H,H) -> ReLU -> Linear(H,H)
    inp['W_f1'] = jax.random.normal(ks[6], (3 * H, H), dtype=jnp.float32) * 0.02
    inp['b_f1'] = jnp.zeros((H,), dtype=jnp.float32)
    inp['W_f2'] = jax.random.normal(ks[7], (H, H), dtype=jnp.float32) * 0.05
    inp['b_f2'] = jnp.zeros((H,), dtype=jnp.float32)
    # input_norm
    inp['g_in'] = jnp.ones((H,), dtype=jnp.float32)
    inp['be_in'] = jnp.zeros((H,), dtype=jnp.float32)
    # deriv layer 0: Linear(2H,H) + LayerNorm
    inp['W_m0'] = jax.random.normal(ks[8], (2 * H, H), dtype=jnp.float32) * 0.03
    inp['bm0'] = jnp.zeros((H,), dtype=jnp.float32)
    inp['g0'] = jnp.ones((H,), dtype=jnp.float32)
    inp['be0'] = jnp.zeros((H,), dtype=jnp.float32)
    # deriv layer 1
    inp['W_m1'] = jax.random.normal(ks[9], (2 * H, H), dtype=jnp.float32) * 0.03
    inp['bm1'] = jnp.zeros((H,), dtype=jnp.float32)
    inp['g1'] = jnp.ones((H,), dtype=jnp.float32)
    inp['be1'] = jnp.zeros((H,), dtype=jnp.float32)
    return inp


def reference(clause_reprs, timestamps, deriv_types, derivation_edges, W_t, b_t, emb, W_f1, b_f1, W_f2, b_f2, g_in, be_in, W_m0, bm0, g0, be0, W_m1, bm1, g1, be1):
    # 1) temporal sinusoidal encoding + projection
    half = T // 2
    freqs = jnp.exp(-math.log(10000.0) * jnp.arange(half, dtype=jnp.float32) / half)
    angles = timestamps[:, None] * freqs[None, :]
    pe = jnp.concatenate([jnp.sin(angles), jnp.cos(angles)], axis=-1)
    t_enc = pe @ W_t + b_t
    # 2) derivation type embedding (gather)
    d_enc = jnp.take(emb, deriv_types, axis=0)
    # 3) input fusion + residual + layer norm
    combined = jnp.concatenate([clause_reprs, t_enc, d_enc], axis=-1)
    fused = jnp.maximum(combined @ W_f1 + b_f1, 0.0) @ W_f2 + b_f2
    x = _ln(clause_reprs + fused, g_in, be_in)
    # 4) derivation message passing along proof DAG (mean aggregation)
    src = derivation_edges[0]
    dst = derivation_edges[1]
    for (W, bm, g, be) in [(W_m0, bm0, g0, be0), (W_m1, bm1, g1, be1)]:
        parent_msgs = jnp.take(x, src, axis=0)
        agg = jnp.zeros_like(x).at[dst].add(parent_msgs)
        cnt = jnp.zeros((x.shape[0], 1), dtype=x.dtype).at[dst].add(jnp.ones((src.shape[0], 1), dtype=x.dtype))
        cnt = jnp.maximum(cnt, 1.0)
        agg = agg / cnt
        comb = jnp.concatenate([x, agg], axis=-1)
        update = jnp.maximum(comb @ W + bm, 0.0)
        x = _ln(x + update, g, be)
    return x

if __name__ == "__main__":
    import jax
    _d = setup_inputs()
    print(jax.jit(kernel)(*tuple(_d.values())))

</pallas_src>

<mosaic_0001>
#map = affine_map<(d0, d1) -> (0, 0)>
#map1 = affine_map<(d0, d1) -> (0)>
module attributes {stable_mosaic.version = 14 : i64} {
  func.func @body(%arg0: i32, %arg1: i32, %arg2: memref<20000x128xf32, #tpu.memory_space<hbm>>, %arg3: memref<2560x128xi32, #tpu.memory_space<hbm>>, %arg4: memref<163840xi32, #tpu.memory_space<hbm>>, %arg5: memref<10112x128xf32, #tpu.memory_space<hbm>>, %arg6: memref<20224x128xf32, #tpu.memory_space<hbm>>, %arg7: memref<80x128xi32, #tpu.memory_space<vmem>>, %arg8: memref<128xi32, #tpu.memory_space<vmem>>, %arg9: memref<128xi32, #tpu.memory_space<vmem>>, %arg10: memref<128x128xf32, #tpu.memory_space<vmem>>, %arg11: memref<128x128xf32, #tpu.memory_space<vmem>>, %arg12: memref<10112x128xf32, #tpu.memory_space<vmem_shared>>, %arg13: memref<!tpu.dma_semaphore, #tpu.memory_space<semaphore_mem>>, %arg14: memref<!tpu.dma_semaphore, #tpu.memory_space<semaphore_mem>>, %arg15: memref<!tpu.dma_semaphore, #tpu.memory_space<semaphore_mem>>, %arg16: memref<!tpu.dma_semaphore, #tpu.memory_space<semaphore_mem>>) attributes {dimension_semantics = [#tpu.dimension_semantics<core_parallel>, #tpu.dimension_semantics<subcore_parallel>], iteration_bounds = array<i64: 2, 16>, scalar_prefetch = 0 : i64, scratch_operands = 10 : i64, tpu.core_type = #tpu.core_type<sc_vector_subcore>, window_params = [{transform_indices = #map}, {transform_indices = #map}, {transform_indices = #map1}, {transform_indices = #map}, {transform_indices = #map}]} {
    %mul3A = arith.constant 632 : i32
    %mul3A_0 = arith.muli %arg1, %mul3A : i32
    %multiple_of3A = tpu.assume_multiple %mul3A_0, 8 : i32
    %mul3A_1 = arith.constant 10112 : i32
    %mul3A_2 = arith.muli %arg0, %mul3A_1 : i32
    %mul3A_3 = arith.constant 632 : i32
    %mul3A_4 = arith.muli %arg1, %mul3A_3 : i32
    %add3A = arith.addi %mul3A_2, %mul3A_4 : i32
    %multiple_of3A_5 = tpu.assume_multiple %add3A, 8 : i32
    "tpu.region"() ({
      %run_scoped3A = tpu.sem_alloc : memref<!tpu.dma_semaphore, #tpu.memory_space<semaphore_mem>>
      %dma_start3A_50 = arith.constant 0 : i32
      %dma_start3A_51 = tpu.memref_slice %arg12[%multiple_of3A, %dma_start3A_50] : memref<10112x128xf32, #tpu.memory_space<vmem_shared>> -> memref<632x128xf32, #tpu.memory_space<vmem_shared>>
      %dma_start3A_52 = arith.constant 0 : i32
      %dma_start3A_53 = tpu.memref_slice %arg5[%multiple_of3A, %dma_start3A_52] : memref<10112x128xf32, #tpu.memory_space<hbm>> -> memref<632x128xf32, #tpu.memory_space<hbm>>
      tpu.enqueue_dma source(%dma_start3A_53 : memref<632x128xf32, #tpu.memory_space<hbm>>) target(%dma_start3A_51 : memref<632x128xf32, #tpu.memory_space<vmem_shared>>) target_semaphore(%run_scoped3A : memref<!tpu.dma_semaphore, #tpu.memory_space<semaphore_mem>>)
      %dma_wait3A = arith.constant 0 : i32
      %dma_wait3A_54 = tpu.memref_slice %arg12[%multiple_of3A, %dma_wait3A] : memref<10112x128xf32, #tpu.memory_space<vmem_shared>> -> memref<632x128xf32, #tpu.memory_space<vmem_shared>>
      %dma_wait3A_55 = arith.constant 0 : i32
      %dma_wait3A_56 = tpu.memref_slice %arg5[%multiple_of3A, %dma_wait3A_55] : memref<10112x128xf32, #tpu.memory_space<hbm>> -> memref<632x128xf32, #tpu.memory_space<hbm>>
      tpu.wait_dma2 semaphore(%run_scoped3A : memref<!tpu.dma_semaphore, #tpu.memory_space<semaphore_mem>>) src(%dma_wait3A_56 : memref<632x128xf32, #tpu.memory_space<hbm>>) dst(%dma_wait3A_54 : memref<632x128xf32, #tpu.memory_space<vmem_shared>>)
      tpu.yield
    }) : () -> ()
    %mul3A_6 = arith.constant 16 : i32
    %mul3A_7 = arith.muli %arg0, %mul3A_6 : i32
    %add3A_8 = arith.addi %mul3A_7, %arg1 : i32
    %mul3A_9 = arith.constant 80 : i32
    %mul3A_10 = arith.muli %add3A_8, %mul3A_9 : i32
    %multiple_of3A_11 = tpu.assume_multiple %mul3A_10, 8 : i32
    "tpu.region"() ({
      %run_scoped3A = tpu.sem_alloc : memref<!tpu.dma_semaphore, #tpu.memory_space<semaphore_mem>>
      %dma_start3A_50 = arith.constant 0 : i32
      %dma_start3A_51 = tpu.memref_slice %arg3[%multiple_of3A_11, %dma_start3A_50] : memref<2560x128xi32, #tpu.memory_space<hbm>> -> memref<80x128xi32, #tpu.memory_space<hbm>>
      %dma_start3A_52 = arith.constant 0 : i32
      %dma_start3A_53 = tpu.memref_slice %arg3[%multiple_of3A_11, %dma_start3A_52] : memref<2560x128xi32, #tpu.memory_space<hbm>> -> memref<80x128xi32, #tpu.memory_space<hbm>>
      tpu.enqueue_dma source(%dma_start3A_53 : memref<80x128xi32, #tpu.memory_space<hbm>>) target(%arg7 : memref<80x128xi32, #tpu.memory_space<vmem>>) target_semaphore(%run_scoped3A : memref<!tpu.dma_semaphore, #tpu.memory_space<semaphore_mem>>)
      %dma_wait3A = arith.constant 0 : i32
      %dma_wait3A_54 = tpu.memref_slice %arg3[%multiple_of3A_11, %dma_wait3A] : memref<2560x128xi32, #tpu.memory_space<hbm>> -> memref<80x128xi32, #tpu.memory_space<hbm>>
      %dma_wait3A_55 = arith.constant 0 : i32
      %dma_wait3A_56 = tpu.memref_slice %arg3[%multiple_of3A_11, %dma_wait3A_55] : memref<2560x128xi32, #tpu.memory_space<hbm>> -> memref<80x128xi32, #tpu.memory_space<hbm>>
      tpu.wait_dma2 semaphore(%run_scoped3A : memref<!tpu.dma_semaphore, #tpu.memory_space<semaphore_mem>>) src(%dma_wait3A_56 : memref<80x128xi32, #tpu.memory_space<hbm>>) dst(%arg7 : memref<80x128xi32, #tpu.memory_space<vmem>>)
      tpu.yield
    }) : () -> ()
    %barrier3A = arith.constant 0 : index
    tpu.barrier barrier_id(%barrier3A)
    %mul3A_12 = arith.constant 80 : i32
    %mul3A_13 = arith.muli %arg1, %mul3A_12 : i32
    %add3A_14 = arith.constant 0 : i32
    %add3A_15 = arith.addi %mul3A_13, %add3A_14 : i32
    %mul3A_16 = arith.constant 128 : i32
    %mul3A_17 = arith.muli %add3A_15, %mul3A_16 : i32
    %multiple_of3A_18 = tpu.assume_multiple %mul3A_17, 8 : i32
    %dma_start3A = tpu.memref_slice %arg4[%multiple_of3A_18] : memref<163840xi32, #tpu.memory_space<hbm>> -> memref<128xi32, #tpu.memory_space<hbm>>
    %dma_start3A_19 = tpu.memref_slice %arg4[%multiple_of3A_18] : memref<163840xi32, #tpu.memory_space<hbm>> -> memref<128xi32, #tpu.memory_space<hbm>>
    tpu.enqueue_dma source(%dma_start3A_19 : memref<128xi32, #tpu.memory_space<hbm>>) target(%arg8 : memref<128xi32, #tpu.memory_space<vmem>>) target_semaphore(%arg15 : memref<!tpu.dma_semaphore, #tpu.memory_space<semaphore_mem>>)
    %dma_start3A_20 = arith.constant 0 : i32
    %dma_start3A_21 = arith.constant 0 : i32
    %dma_start3A_22 = tpu.memref_slice %arg7[%dma_start3A_20, %dma_start3A_21] : memref<80x128xi32, #tpu.memory_space<vmem>> -> memref<1x128xi32, #tpu.memory_space<vmem>>
    %dma_start3A_23 = tpu.memref_squeeze %dma_start3A_22 : memref<1x128xi32, #tpu.memory_space<vmem>> -> memref<128xi32, #tpu.memory_space<vmem>>
    %dma_start3A_24 = arith.constant 0 : i32
    %dma_start3A_25 = arith.constant 0 : i32
    %dma_start3A_26 = tpu.memref_slice %arg2[%dma_start3A_24, %dma_start3A_25] : memref<20000x128xf32, #tpu.memory_space<hbm>> -> memref<20000x128xf32, #tpu.memory_space<hbm>>
    tpu.enqueue_indirect_dma source(%dma_start3A_26 : memref<20000x128xf32, #tpu.memory_space<hbm>>) target(%arg10 : memref<128x128xf32, #tpu.memory_space<vmem>>) offsets(%dma_start3A_23 : memref<128xi32, #tpu.memory_space<vmem>>) semaphore(%arg13 : memref<!tpu.dma_semaphore, #tpu.memory_space<semaphore_mem>>)
    %mul3A_27 = arith.constant 80 : i32
    %mul3A_28 = arith.muli %arg1, %mul3A_27 : i32
    %add3A_29 = arith.constant 1 : i32
    %add3A_30 = arith.addi %mul3A_28, %add3A_29 : i32
    %mul3A_31 = arith.constant 128 : i32
    %mul3A_32 = arith.muli %add3A_30, %mul3A_31 : i32
    %multiple_of3A_33 = tpu.assume_multiple %mul3A_32, 8 : i32
    %dma_start3A_34 = tpu.memref_slice %arg4[%multiple_of3A_33] : memref<163840xi32, #tpu.memory_space<hbm>> -> memref<128xi32, #tpu.memory_space<hbm>>
    %dma_start3A_35 = tpu.memref_slice %arg4[%multiple_of3A_33] : memref<163840xi32, #tpu.memory_space<hbm>> -> memref<128xi32, #tpu.memory_space<hbm>>
    tpu.enqueue_dma source(%dma_start3A_35 : memref<128xi32, #tpu.memory_space<hbm>>) target(%arg9 : memref<128xi32, #tpu.memory_space<vmem>>) target_semaphore(%arg16 : memref<!tpu.dma_semaphore, #tpu.memory_space<semaphore_mem>>)
    %dma_start3A_36 = arith.constant 1 : i32
    %dma_start3A_37 = arith.constant 0 : i32
    %dma_start3A_38 = tpu.memref_slice %arg7[%dma_start3A_36, %dma_start3A_37] : memref<80x128xi32, #tpu.memory_space<vmem>> -> memref<1x128xi32, #tpu.memory_space<vmem>>
    %dma_start3A_39 = tpu.memref_squeeze %dma_start3A_38 : memref<1x128xi32, #tpu.memory_space<vmem>> -> memref<128xi32, #tpu.memory_space<vmem>>
    %dma_start3A_40 = arith.constant 0 : i32
    %dma_start3A_41 = arith.constant 0 : i32
    %dma_start3A_42 = tpu.memref_slice %arg2[%dma_start3A_40, %dma_start3A_41] : memref<20000x128xf32, #tpu.memory_space<hbm>> -> memref<20000x128xf32, #tpu.memory_space<hbm>>
    tpu.enqueue_indirect_dma source(%dma_start3A_42 : memref<20000x128xf32, #tpu.memory_space<hbm>>) target(%arg11 : memref<128x128xf32, #tpu.memory_space<vmem>>) offsets(%dma_start3A_39 : memref<128xi32, #tpu.memory_space<vmem>>) semaphore(%arg14 : memref<!tpu.dma_semaphore, #tpu.memory_space<semaphore_mem>>)
    %scan3A = arith.constant 0 : i32
    %scan3A_43 = arith.constant 0 : i32
    %scan3A_44 = arith.constant 40 : i32
    %scan3A_45 = arith.addi %scan3A_43, %scan3A_44 : i32
    %scan3A_46 = arith.constant 1 : i32
    %scan3A_47 = scf.for %scan3A_50 = %scan3A_43 to %scan3A_45 step %scan3A_46 iter_args(%scan3A_51 = %scan3A) -> (i32)  : i32 {
      %mul3A_52 = arith.constant 2 : i32
      %mul3A_53 = arith.muli %mul3A_52, %scan3A_50 : i32
      %mul3A_54 = arith.constant 80 : i32
      %mul3A_55 = arith.muli %arg1, %mul3A_54 : i32
      %add3A_56 = arith.addi %mul3A_55, %mul3A_53 : i32
      %mul3A_57 = arith.constant 128 : i32
      %mul3A_58 = arith.muli %add3A_56, %mul3A_57 : i32
      %multiple_of3A_59 = tpu.assume_multiple %mul3A_58, 8 : i32
      %dma_wait3A = tpu.memref_slice %arg4[%multiple_of3A_59] : memref<163840xi32, #tpu.memory_space<hbm>> -> memref<128xi32, #tpu.memory_space<hbm>>
      %dma_wait3A_60 = tpu.memref_slice %arg4[%multiple_of3A_59] : memref<163840xi32, #tpu.memory_space<hbm>> -> memref<128xi32, #tpu.memory_space<hbm>>
      tpu.wait_dma2 semaphore(%arg15 : memref<!tpu.dma_semaphore, #tpu.memory_space<semaphore_mem>>) src(%dma_wait3A_60 : memref<128xi32, #tpu.memory_space<hbm>>) dst(%arg8 : memref<128xi32, #tpu.memory_space<vmem>>)
      %dma_wait3A_61 = arith.constant 0 : i32
      %dma_wait3A_62 = tpu.memref_slice %arg7[%mul3A_53, %dma_wait3A_61] : memref<80x128xi32, #tpu.memory_space<vmem>> -> memref<1x128xi32, #tpu.memory_space<vmem>>
      %dma_wait3A_63 = tpu.memref_squeeze %dma_wait3A_62 : memref<1x128xi32, #tpu.memory_space<vmem>> -> memref<128xi32, #tpu.memory_space<vmem>>
      %dma_wait3A_64 = arith.constant 0 : i32
      %dma_wait3A_65 = arith.constant 0 : i32
      %dma_wait3A_66 = tpu.memref_slice %arg2[%dma_wait3A_64, %dma_wait3A_65] : memref<20000x128xf32, #tpu.memory_space<hbm>> -> memref<20000x128xf32, #tpu.memory_space<hbm>>
      tpu.wait_indirect_dma semaphore(%arg13 : memref<!tpu.dma_semaphore, #tpu.memory_space<semaphore_mem>>) src(%dma_wait3A_66 : memref<20000x128xf32, #tpu.memory_space<hbm>>) dst(%arg10 : memref<128x128xf32, #tpu.memory_space<vmem>>)
      "tpu.region"() ({
        %run_scoped3A = tpu.sem_alloc : memref<!tpu.dma_semaphore, #tpu.memory_space<semaphore_mem>>
        %dma_start3A_97 = arith.constant 0 : i32
        %dma_start3A_98 = arith.constant 0 : i32
        %dma_start3A_99 = tpu.memref_slice %arg12[%dma_start3A_97, %dma_start3A_98] : memref<10112x128xf32, #tpu.memory_space<vmem_shared>> -> memref<10112x128xf32, #tpu.memory_space<vmem_shared>>
        tpu.enqueue_indirect_dma source(%arg10 : memref<128x128xf32, #tpu.memory_space<vmem>>) target(%dma_start3A_99 : memref<10112x128xf32, #tpu.memory_space<vmem_shared>>) offsets(%arg8 : memref<128xi32, #tpu.memory_space<vmem>>) semaphore(%run_scoped3A : memref<!tpu.dma_semaphore, #tpu.memory_space<semaphore_mem>>) {add = true}
        %dma_wait3A_100 = arith.constant 0 : i32
        %dma_wait3A_101 = arith.constant 0 : i32
        %dma_wait3A_102 = tpu.memref_slice %arg12[%dma_wait3A_100, %dma_wait3A_101] : memref<10112x128xf32, #tpu.memory_space<vmem_shared>> -> memref<10112x128xf32, #tpu.memory_space<vmem_shared>>
        tpu.wait_indirect_dma semaphore(%run_scoped3A : memref<!tpu.dma_semaphore, #tpu.memory_space<semaphore_mem>>) src(%arg10 : memref<128x128xf32, #tpu.memory_space<vmem>>) dst(%dma_wait3A_102 : memref<10112x128xf32, #tpu.memory_space<vmem_shared>>)
        tpu.yield
      }) : () -> ()
      %add3A_67 = arith.constant 2 : i32
      %add3A_68 = arith.addi %mul3A_53, %add3A_67 : i32
      %lt3A = arith.constant 80 : i32
      %lt3A_69 = arith.cmpi slt, %add3A_68, %lt3A : i32
      %convert_element_type3A = arith.extui %lt3A_69 : i1 to i32
      %cond3A = arith.constant 0 : i32
      %cond3A_70 = arith.cmpi ne, %convert_element_type3A, %cond3A : i32
      scf.if %cond3A_70 {
        %add3A_97 = arith.constant 2 : i32
        %add3A_98 = arith.addi %mul3A_53, %add3A_97 : i32
        %mul3A_99 = arith.constant 80 : i32
        %mul3A_100 = arith.muli %arg1, %mul3A_99 : i32
        %add3A_101 = arith.addi %mul3A_100, %add3A_98 : i32
        %mul3A_102 = arith.constant 128 : i32
        %mul3A_103 = arith.muli %add3A_101, %mul3A_102 : i32
        %multiple_of3A_104 = tpu.assume_multiple %mul3A_103, 8 : i32
        %dma_start3A_105 = tpu.memref_slice %arg4[%multiple_of3A_104] : memref<163840xi32, #tpu.memory_space<hbm>> -> memref<128xi32, #tpu.memory_space<hbm>>
        %dma_start3A_106 = tpu.memref_slice %arg4[%multiple_of3A_104] : memref<163840xi32, #tpu.memory_space<hbm>> -> memref<128xi32, #tpu.memory_space<hbm>>
        tpu.enqueue_dma source(%dma_start3A_106 : memref<128xi32, #tpu.memory_space<hbm>>) target(%arg8 : memref<128xi32, #tpu.memory_space<vmem>>) target_semaphore(%arg15 : memref<!tpu.dma_semaphore, #tpu.memory_space<semaphore_mem>>)
        %add3A_107 = arith.constant 2 : i32
        %add3A_108 = arith.addi %mul3A_53, %add3A_107 : i32
        %dma_start3A_109 = arith.constant 0 : i32
        %dma_start3A_110 = tpu.memref_slice %arg7[%add3A_108, %dma_start3A_109] : memref<80x128xi32, #tpu.memory_space<vmem>> -> memref<1x128xi32, #tpu.memory_space<vmem>>
        %dma_start3A_111 = tpu.memref_squeeze %dma_start3A_110 : memref<1x128xi32, #tpu.memory_space<vmem>> -> memref<128xi32, #tpu.memory_space<vmem>>
        %dma_start3A_112 = arith.constant 0 : i32
        %dma_start3A_113 = arith.constant 0 : i32
        %dma_start3A_114 = tpu.memref_slice %arg2[%dma_start3A_112, %dma_start3A_113] : memref<20000x128xf32, #tpu.memory_space<hbm>> -> memref<20000x128xf32, #tpu.memory_space<hbm>>
        tpu.enqueue_indirect_dma source(%dma_start3A_114 : memref<20000x128xf32, #tpu.memory_space<hbm>>) target(%arg10 : memref<128x128xf32, #tpu.memory_space<vmem>>) offsets(%dma_start3A_111 : memref<128xi32, #tpu.memory_space<vmem>>) semaphore(%arg13 : memref<!tpu.dma_semaphore, #tpu.memory_space<semaphore_mem>>)
      } else {
      }
      %add3A_71 = arith.constant 1 : i32
      %add3A_72 = arith.addi %mul3A_53, %add3A_71 : i32
      %mul3A_73 = arith.constant 80 : i32
      %mul3A_74 = arith.muli %arg1, %mul3A_73 : i32
      %add3A_75 = arith.addi %mul3A_74, %add3A_72 : i32
      %mul3A_76 = arith.constant 128 : i32
      %mul3A_77 = arith.muli %add3A_75, %mul3A_76 : i32
      %multiple_of3A_78 = tpu.assume_multiple %mul3A_77, 8 : i32
      %dma_wait3A_79 = tpu.memref_slice %arg4[%multiple_of3A_78] : memref<163840xi32, #tpu.memory_space<hbm>> -> memref<128xi32, #tpu.memory_space<hbm>>
      %dma_wait3A_80 = tpu.memref_slice %arg4[%multiple_of3A_78] : memref<163840xi32, #tpu.memory_space<hbm>> -> memref<128xi32, #tpu.memory_space<hbm>>
      tpu.wait_dma2 semaphore(%arg16 : memref<!tpu.dma_semaphore, #tpu.memory_space<semaphore_mem>>) src(%dma_wait3A_80 : memref<128xi32, #tpu.memory_space<hbm>>) dst(%arg9 : memref<128xi32, #tpu.memory_space<vmem>>)
      %add3A_81 = arith.constant 1 : i32
      %add3A_82 = arith.addi %mul3A_53, %add3A_81 : i32
      %dma_wait3A_83 = arith.constant 0 : i32
      %dma_wait3A_84 = tpu.memref_slice %arg7[%add3A_82, %dma_wait3A_83] : memref<80x128xi32, #tpu.memory_space<vmem>> -> memref<1x128xi32, #tpu.memory_space<vmem>>
      %dma_wait3A_85 = tpu.memref_squeeze %dma_wait3A_84 : memref<1x128xi32, #tpu.memory_space<vmem>> -> memref<128xi32, #tpu.memory_space<vmem>>
      %dma_wait3A_86 = arith.constant 0 : i32
      %dma_wait3A_87 = arith.constant 0 : i32
      %dma_wait3A_88 = tpu.memref_slice %arg2[%dma_wait3A_86, %dma_wait3A_87] : memref<20000x128xf32, #tpu.memory_space<hbm>> -> memref<20000x128xf32, #tpu.memory_space<hbm>>
      tpu.wait_indirect_dma semaphore(%arg14 : memref<!tpu.dma_semaphore, #tpu.memory_space<semaphore_mem>>) src(%dma_wait3A_88 : memref<20000x128xf32, #tpu.memory_space<hbm>>) dst(%arg11 : memref<128x128xf32, #tpu.memory_space<vmem>>)
      "tpu.region"() ({
        %run_scoped3A = tpu.sem_alloc : memref<!tpu.dma_semaphore, #tpu.memory_space<semaphore_mem>>
        %dma_start3A_97 = arith.constant 0 : i32
        %dma_start3A_98 = arith.constant 0 : i32
        %dma_start3A_99 = tpu.memref_slice %arg12[%dma_start3A_97, %dma_start3A_98] : memref<10112x128xf32, #tpu.memory_space<vmem_shared>> -> memref<10112x128xf32, #tpu.memory_space<vmem_shared>>
        tpu.enqueue_indirect_dma source(%arg11 : memref<128x128xf32, #tpu.memory_space<vmem>>) target(%dma_start3A_99 : memref<10112x128xf32, #tpu.memory_space<vmem_shared>>) offsets(%arg9 : memref<128xi32, #tpu.memory_space<vmem>>) semaphore(%run_scoped3A : memref<!tpu.dma_semaphore, #tpu.memory_space<semaphore_mem>>) {add = true}
        %dma_wait3A_100 = arith.constant 0 : i32
        %dma_wait3A_101 = arith.constant 0 : i32
        %dma_wait3A_102 = tpu.memref_slice %arg12[%dma_wait3A_100, %dma_wait3A_101] : memref<10112x128xf32, #tpu.memory_space<vmem_shared>> -> memref<10112x128xf32, #tpu.memory_space<vmem_shared>>
        tpu.wait_indirect_dma semaphore(%run_scoped3A : memref<!tpu.dma_semaphore, #tpu.memory_space<semaphore_mem>>) src(%arg11 : memref<128x128xf32, #tpu.memory_space<vmem>>) dst(%dma_wait3A_102 : memref<10112x128xf32, #tpu.memory_space<vmem_shared>>)
        tpu.yield
      }) : () -> ()
      %add3A_89 = arith.constant 3 : i32
      %add3A_90 = arith.addi %mul3A_53, %add3A_89 : i32
      %lt3A_91 = arith.constant 80 : i32
      %lt3A_92 = arith.cmpi slt, %add3A_90, %lt3A_91 : i32
      %convert_element_type3A_93 = arith.extui %lt3A_92 : i1 to i32
      %cond3A_94 = arith.constant 0 : i32
      %cond3A_95 = arith.cmpi ne, %convert_element_type3A_93, %cond3A_94 : i32
      scf.if %cond3A_95 {
        %add3A_97 = arith.constant 3 : i32
        %add3A_98 = arith.addi %mul3A_53, %add3A_97 : i32
        %mul3A_99 = arith.constant 80 : i32
        %mul3A_100 = arith.muli %arg1, %mul3A_99 : i32
        %add3A_101 = arith.addi %mul3A_100, %add3A_98 : i32
        %mul3A_102 = arith.constant 128 : i32
        %mul3A_103 = arith.muli %add3A_101, %mul3A_102 : i32
        %multiple_of3A_104 = tpu.assume_multiple %mul3A_103, 8 : i32
        %dma_start3A_105 = tpu.memref_slice %arg4[%multiple_of3A_104] : memref<163840xi32, #tpu.memory_space<hbm>> -> memref<128xi32, #tpu.memory_space<hbm>>
        %dma_start3A_106 = tpu.memref_slice %arg4[%multiple_of3A_104] : memref<163840xi32, #tpu.memory_space<hbm>> -> memref<128xi32, #tpu.memory_space<hbm>>
        tpu.enqueue_dma source(%dma_start3A_106 : memref<128xi32, #tpu.memory_space<hbm>>) target(%arg9 : memref<128xi32, #tpu.memory_space<vmem>>) target_semaphore(%arg16 : memref<!tpu.dma_semaphore, #tpu.memory_space<semaphore_mem>>)
        %add3A_107 = arith.constant 3 : i32
        %add3A_108 = arith.addi %mul3A_53, %add3A_107 : i32
        %dma_start3A_109 = arith.constant 0 : i32
        %dma_start3A_110 = tpu.memref_slice %arg7[%add3A_108, %dma_start3A_109] : memref<80x128xi32, #tpu.memory_space<vmem>> -> memref<1x128xi32, #tpu.memory_space<vmem>>
        %dma_start3A_111 = tpu.memref_squeeze %dma_start3A_110 : memref<1x128xi32, #tpu.memory_space<vmem>> -> memref<128xi32, #tpu.memory_space<vmem>>
        %dma_start3A_112 = arith.constant 0 : i32
        %dma_start3A_113 = arith.constant 0 : i32
        %dma_start3A_114 = tpu.memref_slice %arg2[%dma_start3A_112, %dma_start3A_113] : memref<20000x128xf32, #tpu.memory_space<hbm>> -> memref<20000x128xf32, #tpu.memory_space<hbm>>
        tpu.enqueue_indirect_dma source(%dma_start3A_114 : memref<20000x128xf32, #tpu.memory_space<hbm>>) target(%arg11 : memref<128x128xf32, #tpu.memory_space<vmem>>) offsets(%dma_start3A_111 : memref<128xi32, #tpu.memory_space<vmem>>) semaphore(%arg14 : memref<!tpu.dma_semaphore, #tpu.memory_space<semaphore_mem>>)
      } else {
      }
      %scan3A_96 = arith.constant 0 : i32
      scf.yield %scan3A_96 : i32
    }
    %scan3A_48 = arith.constant 40 : i32
    %barrier3A_49 = arith.constant 0 : index
    tpu.barrier barrier_id(%barrier3A_49)
    "tpu.region"() ({
      %run_scoped3A = tpu.sem_alloc : memref<!tpu.dma_semaphore, #tpu.memory_space<semaphore_mem>>
      %dma_start3A_50 = arith.constant 0 : i32
      %dma_start3A_51 = tpu.memref_slice %arg6[%multiple_of3A_5, %dma_start3A_50] : memref<20224x128xf32, #tpu.memory_space<hbm>> -> memref<632x128xf32, #tpu.memory_space<hbm>>
      %dma_start3A_52 = arith.constant 0 : i32
      %dma_start3A_53 = tpu.memref_slice %arg12[%multiple_of3A, %dma_start3A_52] : memref<10112x128xf32, #tpu.memory_space<vmem_shared>> -> memref<632x128xf32, #tpu.memory_space<vmem_shared>>
      tpu.enqueue_dma source(%dma_start3A_53 : memref<632x128xf32, #tpu.memory_space<vmem_shared>>) target(%dma_start3A_51 : memref<632x128xf32, #tpu.memory_space<hbm>>) target_semaphore(%run_scoped3A : memref<!tpu.dma_semaphore, #tpu.memory_space<semaphore_mem>>)
      %dma_wait3A = arith.constant 0 : i32
      %dma_wait3A_54 = tpu.memref_slice %arg6[%multiple_of3A_5, %dma_wait3A] : memref<20224x128xf32, #tpu.memory_space<hbm>> -> memref<632x128xf32, #tpu.memory_space<hbm>>
      %dma_wait3A_55 = arith.constant 0 : i32
      %dma_wait3A_56 = tpu.memref_slice %arg12[%multiple_of3A, %dma_wait3A_55] : memref<10112x128xf32, #tpu.memory_space<vmem_shared>> -> memref<632x128xf32, #tpu.memory_space<vmem_shared>>
      tpu.wait_dma2 semaphore(%run_scoped3A : memref<!tpu.dma_semaphore, #tpu.memory_space<semaphore_mem>>) src(%dma_wait3A_56 : memref<632x128xf32, #tpu.memory_space<vmem_shared>>) dst(%dma_wait3A_54 : memref<632x128xf32, #tpu.memory_space<hbm>>)
      tpu.yield
    }) : () -> ()
    return
  }
}

#map = affine_map<(d0, d1) -> (0)>
#map1 = affine_map<(d0, d1) -> (0, 0)>
module attributes {stable_mosaic.version = 14 : i64} {
  func.func @body(%arg0: i32, %arg1: i32, %arg2: memref<163840xi32, #tpu.memory_space<hbm>>, %arg3: memref<128x128xf32, #tpu.memory_space<hbm>>, %arg4: memref<10112x128xf32, #tpu.memory_space<hbm>>, %arg5: memref<20224x128xf32, #tpu.memory_space<hbm>>, %arg6: memref<128xi32, #tpu.memory_space<vmem>>, %arg7: memref<128xi32, #tpu.memory_space<vmem>>, %arg8: memref<128xi32, #tpu.memory_space<vmem>>, %arg9: memref<128xi32, #tpu.memory_space<vmem>>, %arg10: memref<128x128xf32, #tpu.memory_space<vmem>>, %arg11: memref<10112x128xf32, #tpu.memory_space<vmem_shared>>, %arg12: memref<!tpu.dma_semaphore, #tpu.memory_space<semaphore_mem>>, %arg13: memref<!tpu.dma_semaphore, #tpu.memory_space<semaphore_mem>>, %arg14: memref<!tpu.dma_semaphore, #tpu.memory_space<semaphore_mem>>, %arg15: memref<!tpu.dma_semaphore, #tpu.memory_space<semaphore_mem>>, %arg16: memref<!tpu.dma_semaphore, #tpu.memory_space<semaphore_mem>>, %arg17: memref<!tpu.dma_semaphore, #tpu.memory_space<semaphore_mem>>, %arg18: memref<!tpu.dma_semaphore, #tpu.memory_space<semaphore_mem>>, %arg19: memref<!tpu.dma_semaphore, #tpu.memory_space<semaphore_mem>>) attributes {dimension_semantics = [#tpu.dimension_semantics<core_parallel>, #tpu.dimension_semantics<subcore_parallel>], iteration_bounds = array<i64: 2, 16>, scalar_prefetch = 0 : i64, scratch_operands = 14 : i64, tpu.core_type = #tpu.core_type<sc_vector_subcore>, window_params = [{transform_indices = #map}, {transform_indices = #map1}, {transform_indices = #map1}, {transform_indices = #map1}]} {
    %mul3A = arith.constant 16 : i32
    %mul3A_0 = arith.muli %arg0, %mul3A : i32
    %add3A = arith.addi %mul3A_0, %arg1 : i32
    %mul3A_1 = arith.constant 632 : i32
    %mul3A_2 = arith.muli %arg1, %mul3A_1 : i32
    %multiple_of3A = tpu.assume_multiple %mul3A_2, 8 : i32
    %mul3A_3 = arith.constant 10112 : i32
    %mul3A_4 = arith.muli %arg0, %mul3A_3 : i32
    %mul3A_5 = arith.constant 632 : i32
    %mul3A_6 = arith.muli %arg1, %mul3A_5 : i32
    %add3A_7 = arith.addi %mul3A_4, %mul3A_6 : i32
    %multiple_of3A_8 = tpu.assume_multiple %add3A_7, 8 : i32
    "tpu.region"() ({
      %run_scoped3A = tpu.sem_alloc : memref<!tpu.dma_semaphore, #tpu.memory_space<semaphore_mem>>
      %dma_start3A_62 = arith.constant 0 : i32
      %dma_start3A_63 = tpu.memref_slice %arg11[%multiple_of3A, %dma_start3A_62] : memref<10112x128xf32, #tpu.memory_space<vmem_shared>> -> memref<632x128xf32, #tpu.memory_space<vmem_shared>>
      %dma_start3A_64 = arith.constant 0 : i32
      %dma_start3A_65 = tpu.memref_slice %arg4[%multiple_of3A, %dma_start3A_64] : memref<10112x128xf32, #tpu.memory_space<hbm>> -> memref<632x128xf32, #tpu.memory_space<hbm>>
      tpu.enqueue_dma source(%dma_start3A_65 : memref<632x128xf32, #tpu.memory_space<hbm>>) target(%dma_start3A_63 : memref<632x128xf32, #tpu.memory_space<vmem_shared>>) target_semaphore(%run_scoped3A : memref<!tpu.dma_semaphore, #tpu.memory_space<semaphore_mem>>)
      %dma_wait3A_66 = arith.constant 0 : i32
      %dma_wait3A_67 = tpu.memref_slice %arg11[%multiple_of3A, %dma_wait3A_66] : memref<10112x128xf32, #tpu.memory_space<vmem_shared>> -> memref<632x128xf32, #tpu.memory_space<vmem_shared>>
      %dma_wait3A_68 = arith.constant 0 : i32
      %dma_wait3A_69 = tpu.memref_slice %arg4[%multiple_of3A, %dma_wait3A_68] : memref<10112x128xf32, #tpu.memory_space<hbm>> -> memref<632x128xf32, #tpu.memory_space<hbm>>
      tpu.wait_dma2 semaphore(%run_scoped3A : memref<!tpu.dma_semaphore, #tpu.memory_space<semaphore_mem>>) src(%dma_wait3A_69 : memref<632x128xf32, #tpu.memory_space<hbm>>) dst(%dma_wait3A_67 : memref<632x128xf32, #tpu.memory_space<vmem_shared>>)
      tpu.yield
    }) : () -> ()
    "tpu.region"() ({
      %run_scoped3A = tpu.sem_alloc : memref<!tpu.dma_semaphore, #tpu.memory_space<semaphore_mem>>
      tpu.enqueue_dma source(%arg3 : memref<128x128xf32, #tpu.memory_space<hbm>>) target(%arg10 : memref<128x128xf32, #tpu.memory_space<vmem>>) target_semaphore(%run_scoped3A : memref<!tpu.dma_semaphore, #tpu.memory_space<semaphore_mem>>)
      tpu.wait_dma2 semaphore(%run_scoped3A : memref<!tpu.dma_semaphore, #tpu.memory_space<semaphore_mem>>) src(%arg3 : memref<128x128xf32, #tpu.memory_space<hbm>>) dst(%arg10 : memref<128x128xf32, #tpu.memory_space<vmem>>)
      tpu.yield
    }) : () -> ()
    %barrier3A = arith.constant 0 : index
    tpu.barrier barrier_id(%barrier3A)
    %mul3A_9 = arith.constant 40 : i32
    %mul3A_10 = arith.muli %add3A, %mul3A_9 : i32
    %add3A_11 = arith.constant 0 : i32
    %add3A_12 = arith.addi %mul3A_10, %add3A_11 : i32
    %mul3A_13 = arith.constant 128 : i32
    %mul3A_14 = arith.muli %add3A_12, %mul3A_13 : i32
    %multiple_of3A_15 = tpu.assume_multiple %mul3A_14, 8 : i32
    %dma_start3A = tpu.memref_slice %arg2[%multiple_of3A_15] : memref<163840xi32, #tpu.memory_space<hbm>> -> memref<128xi32, #tpu.memory_space<hbm>>
    %dma_start3A_16 = tpu.memref_slice %arg2[%multiple_of3A_15] : memref<163840xi32, #tpu.memory_space<hbm>> -> memref<128xi32, #tpu.memory_space<hbm>>
    tpu.enqueue_dma source(%dma_start3A_16 : memref<128xi32, #tpu.memory_space<hbm>>) target(%arg6 : memref<128xi32, #tpu.memory_space<vmem>>) target_semaphore(%arg12 : memref<!tpu.dma_semaphore, #tpu.memory_space<semaphore_mem>>)
    %mul3A_17 = arith.constant 40 : i32
    %mul3A_18 = arith.muli %add3A, %mul3A_17 : i32
    %add3A_19 = arith.constant 1 : i32
    %add3A_20 = arith.addi %mul3A_18, %add3A_19 : i32
    %mul3A_21 = arith.constant 128 : i32
    %mul3A_22 = arith.muli %add3A_20, %mul3A_21 : i32
    %multiple_of3A_23 = tpu.assume_multiple %mul3A_22, 8 : i32
    %dma_start3A_24 = tpu.memref_slice %arg2[%multiple_of3A_23] : memref<163840xi32, #tpu.memory_space<hbm>> -> memref<128xi32, #tpu.memory_space<hbm>>
    %dma_start3A_25 = tpu.memref_slice %arg2[%multiple_of3A_23] : memref<163840xi32, #tpu.memory_space<hbm>> -> memref<128xi32, #tpu.memory_space<hbm>>
    tpu.enqueue_dma source(%dma_start3A_25 : memref<128xi32, #tpu.memory_space<hbm>>) target(%arg7 : memref<128xi32, #tpu.memory_space<vmem>>) target_semaphore(%arg13 : memref<!tpu.dma_semaphore, #tpu.memory_space<semaphore_mem>>)
    %mul3A_26 = arith.constant 40 : i32
    %mul3A_27 = arith.muli %add3A, %mul3A_26 : i32
    %add3A_28 = arith.constant 2 : i32
    %add3A_29 = arith.addi %mul3A_27, %add3A_28 : i32
    %mul3A_30 = arith.constant 128 : i32
    %mul3A_31 = arith.muli %add3A_29, %mul3A_30 : i32
    %multiple_of3A_32 = tpu.assume_multiple %mul3A_31, 8 : i32
    %dma_start3A_33 = tpu.memref_slice %arg2[%multiple_of3A_32] : memref<163840xi32, #tpu.memory_space<hbm>> -> memref<128xi32, #tpu.memory_space<hbm>>
    %dma_start3A_34 = tpu.memref_slice %arg2[%multiple_of3A_32] : memref<163840xi32, #tpu.memory_space<hbm>> -> memref<128xi32, #tpu.memory_space<hbm>>
    tpu.enqueue_dma source(%dma_start3A_34 : memref<128xi32, #tpu.memory_space<hbm>>) target(%arg8 : memref<128xi32, #tpu.memory_space<vmem>>) target_semaphore(%arg14 : memref<!tpu.dma_semaphore, #tpu.memory_space<semaphore_mem>>)
    %mul3A_35 = arith.constant 40 : i32
    %mul3A_36 = arith.muli %add3A, %mul3A_35 : i32
    %add3A_37 = arith.constant 3 : i32
    %add3A_38 = arith.addi %mul3A_36, %add3A_37 : i32
    %mul3A_39 = arith.constant 128 : i32
    %mul3A_40 = arith.muli %add3A_38, %mul3A_39 : i32
    %multiple_of3A_41 = tpu.assume_multiple %mul3A_40, 8 : i32
    %dma_start3A_42 = tpu.memref_slice %arg2[%multiple_of3A_41] : memref<163840xi32, #tpu.memory_space<hbm>> -> memref<128xi32, #tpu.memory_space<hbm>>
    %dma_start3A_43 = tpu.memref_slice %arg2[%multiple_of3A_41] : memref<163840xi32, #tpu.memory_space<hbm>> -> memref<128xi32, #tpu.memory_space<hbm>>
    tpu.enqueue_dma source(%dma_start3A_43 : memref<128xi32, #tpu.memory_space<hbm>>) target(%arg9 : memref<128xi32, #tpu.memory_space<vmem>>) target_semaphore(%arg15 : memref<!tpu.dma_semaphore, #tpu.memory_space<semaphore_mem>>)
    %scan3A = arith.constant 0 : i32
    %scan3A_44 = arith.constant 0 : i32
    %scan3A_45 = arith.constant 10 : i32
    %scan3A_46 = arith.addi %scan3A_44, %scan3A_45 : i32
    %scan3A_47 = arith.constant 1 : i32
    %scan3A_48 = scf.for %scan3A_62 = %scan3A_44 to %scan3A_46 step %scan3A_47 iter_args(%scan3A_63 = %scan3A) -> (i32)  : i32 {
      %mul3A_64 = arith.constant 4 : i32
      %mul3A_65 = arith.muli %mul3A_64, %scan3A_62 : i32
      %add3A_66 = arith.constant 0 : i32
      %add3A_67 = arith.addi %mul3A_65, %add3A_66 : i32
      %mul3A_68 = arith.constant 40 : i32
      %mul3A_69 = arith.muli %add3A, %mul3A_68 : i32
      %add3A_70 = arith.addi %mul3A_69, %add3A_67 : i32
      %mul3A_71 = arith.constant 128 : i32
      %mul3A_72 = arith.muli %add3A_70, %mul3A_71 : i32
      %multiple_of3A_73 = tpu.assume_multiple %mul3A_72, 8 : i32
      %dma_wait3A_74 = tpu.memref_slice %arg2[%multiple_of3A_73] : memref<163840xi32, #tpu.memory_space<hbm>> -> memref<128xi32, #tpu.memory_space<hbm>>
      %dma_wait3A_75 = tpu.memref_slice %arg2[%multiple_of3A_73] : memref<163840xi32, #tpu.memory_space<hbm>> -> memref<128xi32, #tpu.memory_space<hbm>>
      tpu.wait_dma2 semaphore(%arg12 : memref<!tpu.dma_semaphore, #tpu.memory_space<semaphore_mem>>) src(%dma_wait3A_75 : memref<128xi32, #tpu.memory_space<hbm>>) dst(%arg6 : memref<128xi32, #tpu.memory_space<vmem>>)
      %dma_start3A_76 = arith.constant 0 : i32
      %dma_start3A_77 = arith.constant 0 : i32
      %dma_start3A_78 = tpu.memref_slice %arg11[%dma_start3A_76, %dma_start3A_77] : memref<10112x128xf32, #tpu.memory_space<vmem_shared>> -> memref<10112x128xf32, #tpu.memory_space<vmem_shared>>
      tpu.enqueue_indirect_dma source(%arg10 : memref<128x128xf32, #tpu.memory_space<vmem>>) target(%dma_start3A_78 : memref<10112x128xf32, #tpu.memory_space<vmem_shared>>) offsets(%arg6 : memref<128xi32, #tpu.memory_space<vmem>>) semaphore(%arg16 : memref<!tpu.dma_semaphore, #tpu.memory_space<semaphore_mem>>) {add = true}
      %add3A_79 = arith.constant 1 : i32
      %add3A_80 = arith.addi %mul3A_65, %add3A_79 : i32
      %mul3A_81 = arith.constant 40 : i32
      %mul3A_82 = arith.muli %add3A, %mul3A_81 : i32
      %add3A_83 = arith.addi %mul3A_82, %add3A_80 : i32
      %mul3A_84 = arith.constant 128 : i32
      %mul3A_85 = arith.muli %add3A_83, %mul3A_84 : i32
      %multiple_of3A_86 = tpu.assume_multiple %mul3A_85, 8 : i32
      %dma_wait3A_87 = tpu.memref_slice %arg2[%multiple_of3A_86] : memref<163840xi32, #tpu.memory_space<hbm>> -> memref<128xi32, #tpu.memory_space<hbm>>
      %dma_wait3A_88 = tpu.memref_slice %arg2[%multiple_of3A_86] : memref<163840xi32, #tpu.memory_space<hbm>> -> memref<128xi32, #tpu.memory_space<hbm>>
      tpu.wait_dma2 semaphore(%arg13 : memref<!tpu.dma_semaphore, #tpu.memory_space<semaphore_mem>>) src(%dma_wait3A_88 : memref<128xi32, #tpu.memory_space<hbm>>) dst(%arg7 : memref<128xi32, #tpu.memory_space<vmem>>)
      %dma_start3A_89 = arith.constant 0 : i32
      %dma_start3A_90 = arith.constant 0 : i32
      %dma_start3A_91 = tpu.memref_slice %arg11[%dma_start3A_89, %dma_start3A_90] : memref<10112x128xf32, #tpu.memory_space<vmem_shared>> -> memref<10112x128xf32, #tpu.memory_space<vmem_shared>>
      tpu.enqueue_indirect_dma source(%arg10 : memref<128x128xf32, #tpu.memory_space<vmem>>) target(%dma_start3A_91 : memref<10112x128xf32, #tpu.memory_space<vmem_shared>>) offsets(%arg7 : memref<128xi32, #tpu.memory_space<vmem>>) semaphore(%arg17 : memref<!tpu.dma_semaphore, #tpu.memory_space<semaphore_mem>>) {add = true}
      %add3A_92 = arith.constant 2 : i32
      %add3A_93 = arith.addi %mul3A_65, %add3A_92 : i32
      %mul3A_94 = arith.constant 40 : i32
      %mul3A_95 = arith.muli %add3A, %mul3A_94 : i32
      %add3A_96 = arith.addi %mul3A_95, %add3A_93 : i32
      %mul3A_97 = arith.constant 128 : i32
      %mul3A_98 = arith.muli %add3A_96, %mul3A_97 : i32
      %multiple_of3A_99 = tpu.assume_multiple %mul3A_98, 8 : i32
      %dma_wait3A_100 = tpu.memref_slice %arg2[%multiple_of3A_99] : memref<163840xi32, #tpu.memory_space<hbm>> -> memref<128xi32, #tpu.memory_space<hbm>>
      %dma_wait3A_101 = tpu.memref_slice %arg2[%multiple_of3A_99] : memref<163840xi32, #tpu.memory_space<hbm>> -> memref<128xi32, #tpu.memory_space<hbm>>
      tpu.wait_dma2 semaphore(%arg14 : memref<!tpu.dma_semaphore, #tpu.memory_space<semaphore_mem>>) src(%dma_wait3A_101 : memref<128xi32, #tpu.memory_space<hbm>>) dst(%arg8 : memref<128xi32, #tpu.memory_space<vmem>>)
      %dma_start3A_102 = arith.constant 0 : i32
      %dma_start3A_103 = arith.constant 0 : i32
      %dma_start3A_104 = tpu.memref_slice %arg11[%dma_start3A_102, %dma_start3A_103] : memref<10112x128xf32, #tpu.memory_space<vmem_shared>> -> memref<10112x128xf32, #tpu.memory_space<vmem_shared>>
      tpu.enqueue_indirect_dma source(%arg10 : memref<128x128xf32, #tpu.memory_space<vmem>>) target(%dma_start3A_104 : memref<10112x128xf32, #tpu.memory_space<vmem_shared>>) offsets(%arg8 : memref<128xi32, #tpu.memory_space<vmem>>) semaphore(%arg18 : memref<!tpu.dma_semaphore, #tpu.memory_space<semaphore_mem>>) {add = true}
      %add3A_105 = arith.constant 3 : i32
      %add3A_106 = arith.addi %mul3A_65, %add3A_105 : i32
      %mul3A_107 = arith.constant 40 : i32
      %mul3A_108 = arith.muli %add3A, %mul3A_107 : i32
      %add3A_109 = arith.addi %mul3A_108, %add3A_106 : i32
      %mul3A_110 = arith.constant 128 : i32
      %mul3A_111 = arith.muli %add3A_109, %mul3A_110 : i32
      %multiple_of3A_112 = tpu.assume_multiple %mul3A_111, 8 : i32
      %dma_wait3A_113 = tpu.memref_slice %arg2[%multiple_of3A_112] : memref<163840xi32, #tpu.memory_space<hbm>> -> memref<128xi32, #tpu.memory_space<hbm>>
      %dma_wait3A_114 = tpu.memref_slice %arg2[%multiple_of3A_112] : memref<163840xi32, #tpu.memory_space<hbm>> -> memref<128xi32, #tpu.memory_space<hbm>>
      tpu.wait_dma2 semaphore(%arg15 : memref<!tpu.dma_semaphore, #tpu.memory_space<semaphore_mem>>) src(%dma_wait3A_114 : memref<128xi32, #tpu.memory_space<hbm>>) dst(%arg9 : memref<128xi32, #tpu.memory_space<vmem>>)
      %dma_start3A_115 = arith.constant 0 : i32
      %dma_start3A_116 = arith.constant 0 : i32
      %dma_start3A_117 = tpu.memref_slice %arg11[%dma_start3A_115, %dma_start3A_116] : memref<10112x128xf32, #tpu.memory_space<vmem_shared>> -> memref<10112x128xf32, #tpu.memory_space<vmem_shared>>
      tpu.enqueue_indirect_dma source(%arg10 : memref<128x128xf32, #tpu.memory_space<vmem>>) target(%dma_start3A_117 : memref<10112x128xf32, #tpu.memory_space<vmem_shared>>) offsets(%arg9 : memref<128xi32, #tpu.memory_space<vmem>>) semaphore(%arg19 : memref<!tpu.dma_semaphore, #tpu.memory_space<semaphore_mem>>) {add = true}
      %lt3A = arith.constant 9 : i32
      %lt3A_118 = arith.cmpi slt, %scan3A_62, %lt3A : i32
      %convert_element_type3A = arith.extui %lt3A_118 : i1 to i32
      %cond3A = arith.constant 0 : i32
      %cond3A_119 = arith.cmpi ne, %convert_element_type3A, %cond3A : i32
      scf.if %cond3A_119 {
        %dma_wait3A_121 = arith.constant 0 : i32
        %dma_wait3A_122 = arith.constant 0 : i32
        %dma_wait3A_123 = tpu.memref_slice %arg11[%dma_wait3A_121, %dma_wait3A_122] : memref<10112x128xf32, #tpu.memory_space<vmem_shared>> -> memref<10112x128xf32, #tpu.memory_space<vmem_shared>>
        tpu.wait_indirect_dma semaphore(%arg16 : memref<!tpu.dma_semaphore, #tpu.memory_space<semaphore_mem>>) src(%arg10 : memref<128x128xf32, #tpu.memory_space<vmem>>) dst(%dma_wait3A_123 : memref<10112x128xf32, #tpu.memory_space<vmem_shared>>)
        %add3A_124 = arith.constant 4 : i32
        %add3A_125 = arith.addi %mul3A_65, %add3A_124 : i32
        %add3A_126 = arith.constant 0 : i32
        %add3A_127 = arith.addi %add3A_125, %add3A_126 : i32
        %mul3A_128 = arith.constant 40 : i32
        %mul3A_129 = arith.muli %add3A, %mul3A_128 : i32
        %add3A_130 = arith.addi %mul3A_129, %add3A_127 : i32
        %mul3A_131 = arith.constant 128 : i32
        %mul3A_132 = arith.muli %add3A_130, %mul3A_131 : i32
        %multiple_of3A_133 = tpu.assume_multiple %mul3A_132, 8 : i32
        %dma_start3A_134 = tpu.memref_slice %arg2[%multiple_of3A_133] : memref<163840xi32, #tpu.memory_space<hbm>> -> memref<128xi32, #tpu.memory_space<hbm>>
        %dma_start3A_135 = tpu.memref_slice %arg2[%multiple_of3A_133] : memref<163840xi32, #tpu.memory_space<hbm>> -> memref<128xi32, #tpu.memory_space<hbm>>
        tpu.enqueue_dma source(%dma_start3A_135 : memref<128xi32, #tpu.memory_space<hbm>>) target(%arg6 : memref<128xi32, #tpu.memory_space<vmem>>) target_semaphore(%arg12 : memref<!tpu.dma_semaphore, #tpu.memory_space<semaphore_mem>>)
        %dma_wait3A_136 = arith.constant 0 : i32
        %dma_wait3A_137 = arith.constant 0 : i32
        %dma_wait3A_138 = tpu.memref_slice %arg11[%dma_wait3A_136, %dma_wait3A_137] : memref<10112x128xf32, #tpu.memory_space<vmem_shared>> -> memref<10112x128xf32, #tpu.memory_space<vmem_shared>>
        tpu.wait_indirect_dma semaphore(%arg17 : memref<!tpu.dma_semaphore, #tpu.memory_space<semaphore_mem>>) src(%arg10 : memref<128x128xf32, #tpu.memory_space<vmem>>) dst(%dma_wait3A_138 : memref<10112x128xf32, #tpu.memory_space<vmem_shared>>)
        %add3A_139 = arith.constant 4 : i32
        %add3A_140 = arith.addi %mul3A_65, %add3A_139 : i32
        %add3A_141 = arith.constant 1 : i32
        %add3A_142 = arith.addi %add3A_140, %add3A_141 : i32
        %mul3A_143 = arith.constant 40 : i32
        %mul3A_144 = arith.muli %add3A, %mul3A_143 : i32
        %add3A_145 = arith.addi %mul3A_144, %add3A_142 : i32
        %mul3A_146 = arith.constant 128 : i32
        %mul3A_147 = arith.muli %add3A_145, %mul3A_146 : i32
        %multiple_of3A_148 = tpu.assume_multiple %mul3A_147, 8 : i32
        %dma_start3A_149 = tpu.memref_slice %arg2[%multiple_of3A_148] : memref<163840xi32, #tpu.memory_space<hbm>> -> memref<128xi32, #tpu.memory_space<hbm>>
        %dma_start3A_150 = tpu.memref_slice %arg2[%multiple_of3A_148] : memref<163840xi32, #tpu.memory_space<hbm>> -> memref<128xi32, #tpu.memory_space<hbm>>
        tpu.enqueue_dma source(%dma_start3A_150 : memref<128xi32, #tpu.memory_space<hbm>>) target(%arg7 : memref<128xi32, #tpu.memory_space<vmem>>) target_semaphore(%arg13 : memref<!tpu.dma_semaphore, #tpu.memory_space<semaphore_mem>>)
        %dma_wait3A_151 = arith.constant 0 : i32
        %dma_wait3A_152 = arith.constant 0 : i32
        %dma_wait3A_153 = tpu.memref_slice %arg11[%dma_wait3A_151, %dma_wait3A_152] : memref<10112x128xf32, #tpu.memory_space<vmem_shared>> -> memref<10112x128xf32, #tpu.memory_space<vmem_shared>>
        tpu.wait_indirect_dma semaphore(%arg18 : memref<!tpu.dma_semaphore, #tpu.memory_space<semaphore_mem>>) src(%arg10 : memref<128x128xf32, #tpu.memory_space<vmem>>) dst(%dma_wait3A_153 : memref<10112x128xf32, #tpu.memory_space<vmem_shared>>)
        %add3A_154 = arith.constant 4 : i32
        %add3A_155 = arith.addi %mul3A_65, %add3A_154 : i32
        %add3A_156 = arith.constant 2 : i32
        %add3A_157 = arith.addi %add3A_155, %add3A_156 : i32
        %mul3A_158 = arith.constant 40 : i32
        %mul3A_159 = arith.muli %add3A, %mul3A_158 : i32
        %add3A_160 = arith.addi %mul3A_159, %add3A_157 : i32
        %mul3A_161 = arith.constant 128 : i32
        %mul3A_162 = arith.muli %add3A_160, %mul3A_161 : i32
        %multiple_of3A_163 = tpu.assume_multiple %mul3A_162, 8 : i32
        %dma_start3A_164 = tpu.memref_slice %arg2[%multiple_of3A_163] : memref<163840xi32, #tpu.memory_space<hbm>> -> memref<128xi32, #tpu.memory_space<hbm>>
        %dma_start3A_165 = tpu.memref_slice %arg2[%multiple_of3A_163] : memref<163840xi32, #tpu.memory_space<hbm>> -> memref<128xi32, #tpu.memory_space<hbm>>
        tpu.enqueue_dma source(%dma_start3A_165 : memref<128xi32, #tpu.memory_space<hbm>>) target(%arg8 : memref<128xi32, #tpu.memory_space<vmem>>) target_semaphore(%arg14 : memref<!tpu.dma_semaphore, #tpu.memory_space<semaphore_mem>>)
        %dma_wait3A_166 = arith.constant 0 : i32
        %dma_wait3A_167 = arith.constant 0 : i32
        %dma_wait3A_168 = tpu.memref_slice %arg11[%dma_wait3A_166, %dma_wait3A_167] : memref<10112x128xf32, #tpu.memory_space<vmem_shared>> -> memref<10112x128xf32, #tpu.memory_space<vmem_shared>>
        tpu.wait_indirect_dma semaphore(%arg19 : memref<!tpu.dma_semaphore, #tpu.memory_space<semaphore_mem>>) src(%arg10 : memref<128x128xf32, #tpu.memory_space<vmem>>) dst(%dma_wait3A_168 : memref<10112x128xf32, #tpu.memory_space<vmem_shared>>)
        %add3A_169 = arith.constant 4 : i32
        %add3A_170 = arith.addi %mul3A_65, %add3A_169 : i32
        %add3A_171 = arith.constant 3 : i32
        %add3A_172 = arith.addi %add3A_170, %add3A_171 : i32
        %mul3A_173 = arith.constant 40 : i32
        %mul3A_174 = arith.muli %add3A, %mul3A_173 : i32
        %add3A_175 = arith.addi %mul3A_174, %add3A_172 : i32
        %mul3A_176 = arith.constant 128 : i32
        %mul3A_177 = arith.muli %add3A_175, %mul3A_176 : i32
        %multiple_of3A_178 = tpu.assume_multiple %mul3A_177, 8 : i32
        %dma_start3A_179 = tpu.memref_slice %arg2[%multiple_of3A_178] : memref<163840xi32, #tpu.memory_space<hbm>> -> memref<128xi32, #tpu.memory_space<hbm>>
        %dma_start3A_180 = tpu.memref_slice %arg2[%multiple_of3A_178] : memref<163840xi32, #tpu.memory_space<hbm>> -> memref<128xi32, #tpu.memory_space<hbm>>
        tpu.enqueue_dma source(%dma_start3A_180 : memref<128xi32, #tpu.memory_space<hbm>>) target(%arg9 : memref<128xi32, #tpu.memory_space<vmem>>) target_semaphore(%arg15 : memref<!tpu.dma_semaphore, #tpu.memory_space<semaphore_mem>>)
      } else {
      }
      %scan3A_120 = arith.constant 0 : i32
      scf.yield %scan3A_120 : i32
    }
    %scan3A_49 = arith.constant 10 : i32
    %dma_wait3A = arith.constant 0 : i32
    %dma_wait3A_50 = arith.constant 0 : i32
    %dma_wait3A_51 = tpu.memref_slice %arg11[%dma_wait3A, %dma_wait3A_50] : memref<10112x128xf32, #tpu.memory_space<vmem_shared>> -> memref<10112x128xf32, #tpu.memory_space<vmem_shared>>
    tpu.wait_indirect_dma semaphore(%arg16 : memref<!tpu.dma_semaphore, #tpu.memory_space<semaphore_mem>>) src(%arg10 : memref<128x128xf32, #tpu.memory_space<vmem>>) dst(%dma_wait3A_51 : memref<10112x128xf32, #tpu.memory_space<vmem_shared>>)
    %dma_wait3A_52 = arith.constant 0 : i32
    %dma_wait3A_53 = arith.constant 0 : i32
    %dma_wait3A_54 = tpu.memref_slice %arg11[%dma_wait3A_52, %dma_wait3A_53] : memref<10112x128xf32, #tpu.memory_space<vmem_shared>> -> memref<10112x128xf32, #tpu.memory_space<vmem_shared>>
    tpu.wait_indirect_dma semaphore(%arg17 : memref<!tpu.dma_semaphore, #tpu.memory_space<semaphore_mem>>) src(%arg10 : memref<128x128xf32, #tpu.memory_space<vmem>>) dst(%dma_wait3A_54 : memref<10112x128xf32, #tpu.memory_space<vmem_shared>>)
    %dma_wait3A_55 = arith.constant 0 : i32
    %dma_wait3A_56 = arith.constant 0 : i32
    %dma_wait3A_57 = tpu.memref_slice %arg11[%dma_wait3A_55, %dma_wait3A_56] : memref<10112x128xf32, #tpu.memory_space<vmem_shared>> -> memref<10112x128xf32, #tpu.memory_space<vmem_shared>>
    tpu.wait_indirect_dma semaphore(%arg18 : memref<!tpu.dma_semaphore, #tpu.memory_space<semaphore_mem>>) src(%arg10 : memref<128x128xf32, #tpu.memory_space<vmem>>) dst(%dma_wait3A_57 : memref<10112x128xf32, #tpu.memory_space<vmem_shared>>)
    %dma_wait3A_58 = arith.constant 0 : i32
    %dma_wait3A_59 = arith.constant 0 : i32
    %dma_wait3A_60 = tpu.memref_slice %arg11[%dma_wait3A_58, %dma_wait3A_59] : memref<10112x128xf32, #tpu.memory_space<vmem_shared>> -> memref<10112x128xf32, #tpu.memory_space<vmem_shared>>
    tpu.wait_indirect_dma semaphore(%arg19 : memref<!tpu.dma_semaphore, #tpu.memory_space<semaphore_mem>>) src(%arg10 : memref<128x128xf32, #tpu.memory_space<vmem>>) dst(%dma_wait3A_60 : memref<10112x128xf32, #tpu.memory_space<vmem_shared>>)
    %barrier3A_61 = arith.constant 0 : index
    tpu.barrier barrier_id(%barrier3A_61)
    "tpu.region"() ({
      %run_scoped3A = tpu.sem_alloc : memref<!tpu.dma_semaphore, #tpu.memory_space<semaphore_mem>>
      %dma_start3A_62 = arith.constant 0 : i32
      %dma_start3A_63 = tpu.memref_slice %arg5[%multiple_of3A_8, %dma_start3A_62] : memref<20224x128xf32, #tpu.memory_space<hbm>> -> memref<632x128xf32, #tpu.memory_space<hbm>>
      %dma_start3A_64 = arith.constant 0 : i32
      %dma_start3A_65 = tpu.memref_slice %arg11[%multiple_of3A, %dma_start3A_64] : memref<10112x128xf32, #tpu.memory_space<vmem_shared>> -> memref<632x128xf32, #tpu.memory_space<vmem_shared>>
      tpu.enqueue_dma source(%dma_start3A_65 : memref<632x128xf32, #tpu.memory_space<vmem_shared>>) target(%dma_start3A_63 : memref<632x128xf32, #tpu.memory_space<hbm>>) target_semaphore(%run_scoped3A : memref<!tpu.dma_semaphore, #tpu.memory_space<semaphore_mem>>)
      %dma_wait3A_66 = arith.constant 0 : i32
      %dma_wait3A_67 = tpu.memref_slice %arg5[%multiple_of3A_8, %dma_wait3A_66] : memref<20224x128xf32, #tpu.memory_space<hbm>> -> memref<632x128xf32, #tpu.memory_space<hbm>>
      %dma_wait3A_68 = arith.constant 0 : i32
      %dma_wait3A_69 = tpu.memref_slice %arg11[%multiple_of3A, %dma_wait3A_68] : memref<10112x128xf32, #tpu.memory_space<vmem_shared>> -> memref<632x128xf32, #tpu.memory_space<vmem_shared>>
      tpu.wait_dma2 semaphore(%run_scoped3A : memref<!tpu.dma_semaphore, #tpu.memory_space<semaphore_mem>>) src(%dma_wait3A_69 : memref<632x128xf32, #tpu.memory_space<vmem_shared>>) dst(%dma_wait3A_67 : memref<632x128xf32, #tpu.memory_space<hbm>>)
      tpu.yield
    }) : () -> ()
    return
  }
}

#map = affine_map<(d0, d1) -> (0, 0)>
#map1 = affine_map<(d0, d1) -> (0)>
module attributes {stable_mosaic.version = 14 : i64} {
  func.func @body(%arg0: i32, %arg1: i32, %arg2: memref<20000x128xf32, #tpu.memory_space<hbm>>, %arg3: memref<2560x128xi32, #tpu.memory_space<hbm>>, %arg4: memref<163840xi32, #tpu.memory_space<hbm>>, %arg5: memref<10112x128xf32, #tpu.memory_space<hbm>>, %arg6: memref<20224x128xf32, #tpu.memory_space<hbm>>, %arg7: memref<80x128xi32, #tpu.memory_space<vmem>>, %arg8: memref<128xi32, #tpu.memory_space<vmem>>, %arg9: memref<128xi32, #tpu.memory_space<vmem>>, %arg10: memref<128x128xf32, #tpu.memory_space<vmem>>, %arg11: memref<128x128xf32, #tpu.memory_space<vmem>>, %arg12: memref<10112x128xf32, #tpu.memory_space<vmem_shared>>, %arg13: memref<!tpu.dma_semaphore, #tpu.memory_space<semaphore_mem>>, %arg14: memref<!tpu.dma_semaphore, #tpu.memory_space<semaphore_mem>>, %arg15: memref<!tpu.dma_semaphore, #tpu.memory_space<semaphore_mem>>, %arg16: memref<!tpu.dma_semaphore, #tpu.memory_space<semaphore_mem>>) attributes {dimension_semantics = [#tpu.dimension_semantics<core_parallel>, #tpu.dimension_semantics<subcore_parallel>], iteration_bounds = array<i64: 2, 16>, scalar_prefetch = 0 : i64, scratch_operands = 10 : i64, tpu.core_type = #tpu.core_type<sc_vector_subcore>, window_params = [{transform_indices = #map}, {transform_indices = #map}, {transform_indices = #map1}, {transform_indices = #map}, {transform_indices = #map}]} {
    %mul3A = arith.constant 632 : i32
    %mul3A_0 = arith.muli %arg1, %mul3A : i32
    %multiple_of3A = tpu.assume_multiple %mul3A_0, 8 : i32
    %mul3A_1 = arith.constant 10112 : i32
    %mul3A_2 = arith.muli %arg0, %mul3A_1 : i32
    %mul3A_3 = arith.constant 632 : i32
    %mul3A_4 = arith.muli %arg1, %mul3A_3 : i32
    %add3A = arith.addi %mul3A_2, %mul3A_4 : i32
    %multiple_of3A_5 = tpu.assume_multiple %add3A, 8 : i32
    "tpu.region"() ({
      %run_scoped3A = tpu.sem_alloc : memref<!tpu.dma_semaphore, #tpu.memory_space<semaphore_mem>>
      %dma_start3A_50 = arith.constant 0 : i32
      %dma_start3A_51 = tpu.memref_slice %arg12[%multiple_of3A, %dma_start3A_50] : memref<10112x128xf32, #tpu.memory_space<vmem_shared>> -> memref<632x128xf32, #tpu.memory_space<vmem_shared>>
      %dma_start3A_52 = arith.constant 0 : i32
      %dma_start3A_53 = tpu.memref_slice %arg5[%multiple_of3A, %dma_start3A_52] : memref<10112x128xf32, #tpu.memory_space<hbm>> -> memref<632x128xf32, #tpu.memory_space<hbm>>
      tpu.enqueue_dma source(%dma_start3A_53 : memref<632x128xf32, #tpu.memory_space<hbm>>) target(%dma_start3A_51 : memref<632x128xf32, #tpu.memory_space<vmem_shared>>) target_semaphore(%run_scoped3A : memref<!tpu.dma_semaphore, #tpu.memory_space<semaphore_mem>>)
      %dma_wait3A = arith.constant 0 : i32
      %dma_wait3A_54 = tpu.memref_slice %arg12[%multiple_of3A, %dma_wait3A] : memref<10112x128xf32, #tpu.memory_space<vmem_shared>> -> memref<632x128xf32, #tpu.memory_space<vmem_shared>>
      %dma_wait3A_55 = arith.constant 0 : i32
      %dma_wait3A_56 = tpu.memref_slice %arg5[%multiple_of3A, %dma_wait3A_55] : memref<10112x128xf32, #tpu.memory_space<hbm>> -> memref<632x128xf32, #tpu.memory_space<hbm>>
      tpu.wait_dma2 semaphore(%run_scoped3A : memref<!tpu.dma_semaphore, #tpu.memory_space<semaphore_mem>>) src(%dma_wait3A_56 : memref<632x128xf32, #tpu.memory_space<hbm>>) dst(%dma_wait3A_54 : memref<632x128xf32, #tpu.memory_space<vmem_shared>>)
      tpu.yield
    }) : () -> ()
    %mul3A_6 = arith.constant 16 : i32
    %mul3A_7 = arith.muli %arg0, %mul3A_6 : i32
    %add3A_8 = arith.addi %mul3A_7, %arg1 : i32
    %mul3A_9 = arith.constant 80 : i32
    %mul3A_10 = arith.muli %add3A_8, %mul3A_9 : i32
    %multiple_of3A_11 = tpu.assume_multiple %mul3A_10, 8 : i32
    "tpu.region"() ({
      %run_scoped3A = tpu.sem_alloc : memref<!tpu.dma_semaphore, #tpu.memory_space<semaphore_mem>>
      %dma_start3A_50 = arith.constant 0 : i32
      %dma_start3A_51 = tpu.memref_slice %arg3[%multiple_of3A_11, %dma_start3A_50] : memref<2560x128xi32, #tpu.memory_space<hbm>> -> memref<80x128xi32, #tpu.memory_space<hbm>>
      %dma_start3A_52 = arith.constant 0 : i32
      %dma_start3A_53 = tpu.memref_slice %arg3[%multiple_of3A_11, %dma_start3A_52] : memref<2560x128xi32, #tpu.memory_space<hbm>> -> memref<80x128xi32, #tpu.memory_space<hbm>>
      tpu.enqueue_dma source(%dma_start3A_53 : memref<80x128xi32, #tpu.memory_space<hbm>>) target(%arg7 : memref<80x128xi32, #tpu.memory_space<vmem>>) target_semaphore(%run_scoped3A : memref<!tpu.dma_semaphore, #tpu.memory_space<semaphore_mem>>)
      %dma_wait3A = arith.constant 0 : i32
      %dma_wait3A_54 = tpu.memref_slice %arg3[%multiple_of3A_11, %dma_wait3A] : memref<2560x128xi32, #tpu.memory_space<hbm>> -> memref<80x128xi32, #tpu.memory_space<hbm>>
      %dma_wait3A_55 = arith.constant 0 : i32
      %dma_wait3A_56 = tpu.memref_slice %arg3[%multiple_of3A_11, %dma_wait3A_55] : memref<2560x128xi32, #tpu.memory_space<hbm>> -> memref<80x128xi32, #tpu.memory_space<hbm>>
      tpu.wait_dma2 semaphore(%run_scoped3A : memref<!tpu.dma_semaphore, #tpu.memory_space<semaphore_mem>>) src(%dma_wait3A_56 : memref<80x128xi32, #tpu.memory_space<hbm>>) dst(%arg7 : memref<80x128xi32, #tpu.memory_space<vmem>>)
      tpu.yield
    }) : () -> ()
    %barrier3A = arith.constant 0 : index
    tpu.barrier barrier_id(%barrier3A)
    %mul3A_12 = arith.constant 80 : i32
    %mul3A_13 = arith.muli %arg1, %mul3A_12 : i32
    %add3A_14 = arith.constant 0 : i32
    %add3A_15 = arith.addi %mul3A_13, %add3A_14 : i32
    %mul3A_16 = arith.constant 128 : i32
    %mul3A_17 = arith.muli %add3A_15, %mul3A_16 : i32
    %multiple_of3A_18 = tpu.assume_multiple %mul3A_17, 8 : i32
    %dma_start3A = tpu.memref_slice %arg4[%multiple_of3A_18] : memref<163840xi32, #tpu.memory_space<hbm>> -> memref<128xi32, #tpu.memory_space<hbm>>
    %dma_start3A_19 = tpu.memref_slice %arg4[%multiple_of3A_18] : memref<163840xi32, #tpu.memory_space<hbm>> -> memref<128xi32, #tpu.memory_space<hbm>>
    tpu.enqueue_dma source(%dma_start3A_19 : memref<128xi32, #tpu.memory_space<hbm>>) target(%arg8 : memref<128xi32, #tpu.memory_space<vmem>>) target_semaphore(%arg15 : memref<!tpu.dma_semaphore, #tpu.memory_space<semaphore_mem>>)
    %dma_start3A_20 = arith.constant 0 : i32
    %dma_start3A_21 = arith.constant 0 : i32
    %dma_start3A_22 = tpu.memref_slice %arg7[%dma_start3A_20, %dma_start3A_21] : memref<80x128xi32, #tpu.memory_space<vmem>> -> memref<1x128xi32, #tpu.memory_space<vmem>>
    %dma_start3A_23 = tpu.memref_squeeze %dma_start3A_22 : memref<1x128xi32, #tpu.memory_space<vmem>> -> memref<128xi32, #tpu.memory_space<vmem>>
    %dma_start3A_24 = arith.constant 0 : i32
    %dma_start3A_25 = arith.constant 0 : i32
    %dma_start3A_26 = tpu.memref_slice %arg2[%dma_start3A_24, %dma_start3A_25] : memref<20000x128xf32, #tpu.memory_space<hbm>> -> memref<20000x128xf32, #tpu.memory_space<hbm>>
    tpu.enqueue_indirect_dma source(%dma_start3A_26 : memref<20000x128xf32, #tpu.memory_space<hbm>>) target(%arg10 : memref<128x128xf32, #tpu.memory_space<vmem>>) offsets(%dma_start3A_23 : memref<128xi32, #tpu.memory_space<vmem>>) semaphore(%arg13 : memref<!tpu.dma_semaphore, #tpu.memory_space<semaphore_mem>>)
    %mul3A_27 = arith.constant 80 : i32
    %mul3A_28 = arith.muli %arg1, %mul3A_27 : i32
    %add3A_29 = arith.constant 1 : i32
    %add3A_30 = arith.addi %mul3A_28, %add3A_29 : i32
    %mul3A_31 = arith.constant 128 : i32
    %mul3A_32 = arith.muli %add3A_30, %mul3A_31 : i32
    %multiple_of3A_33 = tpu.assume_multiple %mul3A_32, 8 : i32
    %dma_start3A_34 = tpu.memref_slice %arg4[%multiple_of3A_33] : memref<163840xi32, #tpu.memory_space<hbm>> -> memref<128xi32, #tpu.memory_space<hbm>>
    %dma_start3A_35 = tpu.memref_slice %arg4[%multiple_of3A_33] : memref<163840xi32, #tpu.memory_space<hbm>> -> memref<128xi32, #tpu.memory_space<hbm>>
    tpu.enqueue_dma source(%dma_start3A_35 : memref<128xi32, #tpu.memory_space<hbm>>) target(%arg9 : memref<128xi32, #tpu.memory_space<vmem>>) target_semaphore(%arg16 : memref<!tpu.dma_semaphore, #tpu.memory_space<semaphore_mem>>)
    %dma_start3A_36 = arith.constant 1 : i32
    %dma_start3A_37 = arith.constant 0 : i32
    %dma_start3A_38 = tpu.memref_slice %arg7[%dma_start3A_36, %dma_start3A_37] : memref<80x128xi32, #tpu.memory_space<vmem>> -> memref<1x128xi32, #tpu.memory_space<vmem>>
    %dma_start3A_39 = tpu.memref_squeeze %dma_start3A_38 : memref<1x128xi32, #tpu.memory_space<vmem>> -> memref<128xi32, #tpu.memory_space<vmem>>
    %dma_start3A_40 = arith.constant 0 : i32
    %dma_start3A_41 = arith.constant 0 : i32
    %dma_start3A_42 = tpu.memref_slice %arg2[%dma_start3A_40, %dma_start3A_41] : memref<20000x128xf32, #tpu.memory_space<hbm>> -> memref<20000x128xf32, #tpu.memory_space<hbm>>
    tpu.enqueue_indirect_dma source(%dma_start3A_42 : memref<20000x128xf32, #tpu.memory_space<hbm>>) target(%arg11 : memref<128x128xf32, #tpu.memory_space<vmem>>) offsets(%dma_start3A_39 : memref<128xi32, #tpu.memory_space<vmem>>) semaphore(%arg14 : memref<!tpu.dma_semaphore, #tpu.memory_space<semaphore_mem>>)
    %scan3A = arith.constant 0 : i32
    %scan3A_43 = arith.constant 0 : i32
    %scan3A_44 = arith.constant 40 : i32
    %scan3A_45 = arith.addi %scan3A_43, %scan3A_44 : i32
    %scan3A_46 = arith.constant 1 : i32
    %scan3A_47 = scf.for %scan3A_50 = %scan3A_43 to %scan3A_45 step %scan3A_46 iter_args(%scan3A_51 = %scan3A) -> (i32)  : i32 {
      %mul3A_52 = arith.constant 2 : i32
      %mul3A_53 = arith.muli %mul3A_52, %scan3A_50 : i32
      %mul3A_54 = arith.constant 80 : i32
      %mul3A_55 = arith.muli %arg1, %mul3A_54 : i32
      %add3A_56 = arith.addi %mul3A_55, %mul3A_53 : i32
      %mul3A_57 = arith.constant 128 : i32
      %mul3A_58 = arith.muli %add3A_56, %mul3A_57 : i32
      %multiple_of3A_59 = tpu.assume_multiple %mul3A_58, 8 : i32
      %dma_wait3A = tpu.memref_slice %arg4[%multiple_of3A_59] : memref<163840xi32, #tpu.memory_space<hbm>> -> memref<128xi32, #tpu.memory_space<hbm>>
      %dma_wait3A_60 = tpu.memref_slice %arg4[%multiple_of3A_59] : memref<163840xi32, #tpu.memory_space<hbm>> -> memref<128xi32, #tpu.memory_space<hbm>>
      tpu.wait_dma2 semaphore(%arg15 : memref<!tpu.dma_semaphore, #tpu.memory_space<semaphore_mem>>) src(%dma_wait3A_60 : memref<128xi32, #tpu.memory_space<hbm>>) dst(%arg8 : memref<128xi32, #tpu.memory_space<vmem>>)
      %dma_wait3A_61 = arith.constant 0 : i32
      %dma_wait3A_62 = tpu.memref_slice %arg7[%mul3A_53, %dma_wait3A_61] : memref<80x128xi32, #tpu.memory_space<vmem>> -> memref<1x128xi32, #tpu.memory_space<vmem>>
      %dma_wait3A_63 = tpu.memref_squeeze %dma_wait3A_62 : memref<1x128xi32, #tpu.memory_space<vmem>> -> memref<128xi32, #tpu.memory_space<vmem>>
      %dma_wait3A_64 = arith.constant 0 : i32
      %dma_wait3A_65 = arith.constant 0 : i32
      %dma_wait3A_66 = tpu.memref_slice %arg2[%dma_wait3A_64, %dma_wait3A_65] : memref<20000x128xf32, #tpu.memory_space<hbm>> -> memref<20000x128xf32, #tpu.memory_space<hbm>>
      tpu.wait_indirect_dma semaphore(%arg13 : memref<!tpu.dma_semaphore, #tpu.memory_space<semaphore_mem>>) src(%dma_wait3A_66 : memref<20000x128xf32, #tpu.memory_space<hbm>>) dst(%arg10 : memref<128x128xf32, #tpu.memory_space<vmem>>)
      "tpu.region"() ({
        %run_scoped3A = tpu.sem_alloc : memref<!tpu.dma_semaphore, #tpu.memory_space<semaphore_mem>>
        %dma_start3A_97 = arith.constant 0 : i32
        %dma_start3A_98 = arith.constant 0 : i32
        %dma_start3A_99 = tpu.memref_slice %arg12[%dma_start3A_97, %dma_start3A_98] : memref<10112x128xf32, #tpu.memory_space<vmem_shared>> -> memref<10112x128xf32, #tpu.memory_space<vmem_shared>>
        tpu.enqueue_indirect_dma source(%arg10 : memref<128x128xf32, #tpu.memory_space<vmem>>) target(%dma_start3A_99 : memref<10112x128xf32, #tpu.memory_space<vmem_shared>>) offsets(%arg8 : memref<128xi32, #tpu.memory_space<vmem>>) semaphore(%run_scoped3A : memref<!tpu.dma_semaphore, #tpu.memory_space<semaphore_mem>>) {add = true}
        %dma_wait3A_100 = arith.constant 0 : i32
        %dma_wait3A_101 = arith.constant 0 : i32
        %dma_wait3A_102 = tpu.memref_slice %arg12[%dma_wait3A_100, %dma_wait3A_101] : memref<10112x128xf32, #tpu.memory_space<vmem_shared>> -> memref<10112x128xf32, #tpu.memory_space<vmem_shared>>
        tpu.wait_indirect_dma semaphore(%run_scoped3A : memref<!tpu.dma_semaphore, #tpu.memory_space<semaphore_mem>>) src(%arg10 : memref<128x128xf32, #tpu.memory_space<vmem>>) dst(%dma_wait3A_102 : memref<10112x128xf32, #tpu.memory_space<vmem_shared>>)
        tpu.yield
      }) : () -> ()
      %add3A_67 = arith.constant 2 : i32
      %add3A_68 = arith.addi %mul3A_53, %add3A_67 : i32
      %lt3A = arith.constant 80 : i32
      %lt3A_69 = arith.cmpi slt, %add3A_68, %lt3A : i32
      %convert_element_type3A = arith.extui %lt3A_69 : i1 to i32
      %cond3A = arith.constant 0 : i32
      %cond3A_70 = arith.cmpi ne, %convert_element_type3A, %cond3A : i32
      scf.if %cond3A_70 {
        %add3A_97 = arith.constant 2 : i32
        %add3A_98 = arith.addi %mul3A_53, %add3A_97 : i32
        %mul3A_99 = arith.constant 80 : i32
        %mul3A_100 = arith.muli %arg1, %mul3A_99 : i32
        %add3A_101 = arith.addi %mul3A_100, %add3A_98 : i32
        %mul3A_102 = arith.constant 128 : i32
        %mul3A_103 = arith.muli %add3A_101, %mul3A_102 : i32
        %multiple_of3A_104 = tpu.assume_multiple %mul3A_103, 8 : i32
        %dma_start3A_105 = tpu.memref_slice %arg4[%multiple_of3A_104] : memref<163840xi32, #tpu.memory_space<hbm>> -> memref<128xi32, #tpu.memory_space<hbm>>
        %dma_start3A_106 = tpu.memref_slice %arg4[%multiple_of3A_104] : memref<163840xi32, #tpu.memory_space<hbm>> -> memref<128xi32, #tpu.memory_space<hbm>>
        tpu.enqueue_dma source(%dma_start3A_106 : memref<128xi32, #tpu.memory_space<hbm>>) target(%arg8 : memref<128xi32, #tpu.memory_space<vmem>>) target_semaphore(%arg15 : memref<!tpu.dma_semaphore, #tpu.memory_space<semaphore_mem>>)
        %add3A_107 = arith.constant 2 : i32
        %add3A_108 = arith.addi %mul3A_53, %add3A_107 : i32
        %dma_start3A_109 = arith.constant 0 : i32
        %dma_start3A_110 = tpu.memref_slice %arg7[%add3A_108, %dma_start3A_109] : memref<80x128xi32, #tpu.memory_space<vmem>> -> memref<1x128xi32, #tpu.memory_space<vmem>>
        %dma_start3A_111 = tpu.memref_squeeze %dma_start3A_110 : memref<1x128xi32, #tpu.memory_space<vmem>> -> memref<128xi32, #tpu.memory_space<vmem>>
        %dma_start3A_112 = arith.constant 0 : i32
        %dma_start3A_113 = arith.constant 0 : i32
        %dma_start3A_114 = tpu.memref_slice %arg2[%dma_start3A_112, %dma_start3A_113] : memref<20000x128xf32, #tpu.memory_space<hbm>> -> memref<20000x128xf32, #tpu.memory_space<hbm>>
        tpu.enqueue_indirect_dma source(%dma_start3A_114 : memref<20000x128xf32, #tpu.memory_space<hbm>>) target(%arg10 : memref<128x128xf32, #tpu.memory_space<vmem>>) offsets(%dma_start3A_111 : memref<128xi32, #tpu.memory_space<vmem>>) semaphore(%arg13 : memref<!tpu.dma_semaphore, #tpu.memory_space<semaphore_mem>>)
      } else {
      }
      %add3A_71 = arith.constant 1 : i32
      %add3A_72 = arith.addi %mul3A_53, %add3A_71 : i32
      %mul3A_73 = arith.constant 80 : i32
      %mul3A_74 = arith.muli %arg1, %mul3A_73 : i32
      %add3A_75 = arith.addi %mul3A_74, %add3A_72 : i32
      %mul3A_76 = arith.constant 128 : i32
      %mul3A_77 = arith.muli %add3A_75, %mul3A_76 : i32
      %multiple_of3A_78 = tpu.assume_multiple %mul3A_77, 8 : i32
      %dma_wait3A_79 = tpu.memref_slice %arg4[%multiple_of3A_78] : memref<163840xi32, #tpu.memory_space<hbm>> -> memref<128xi32, #tpu.memory_space<hbm>>
      %dma_wait3A_80 = tpu.memref_slice %arg4[%multiple_of3A_78] : memref<163840xi32, #tpu.memory_space<hbm>> -> memref<128xi32, #tpu.memory_space<hbm>>
      tpu.wait_dma2 semaphore(%arg16 : memref<!tpu.dma_semaphore, #tpu.memory_space<semaphore_mem>>) src(%dma_wait3A_80 : memref<128xi32, #tpu.memory_space<hbm>>) dst(%arg9 : memref<128xi32, #tpu.memory_space<vmem>>)
      %add3A_81 = arith.constant 1 : i32
      %add3A_82 = arith.addi %mul3A_53, %add3A_81 : i32
      %dma_wait3A_83 = arith.constant 0 : i32
      %dma_wait3A_84 = tpu.memref_slice %arg7[%add3A_82, %dma_wait3A_83] : memref<80x128xi32, #tpu.memory_space<vmem>> -> memref<1x128xi32, #tpu.memory_space<vmem>>
      %dma_wait3A_85 = tpu.memref_squeeze %dma_wait3A_84 : memref<1x128xi32, #tpu.memory_space<vmem>> -> memref<128xi32, #tpu.memory_space<vmem>>
      %dma_wait3A_86 = arith.constant 0 : i32
      %dma_wait3A_87 = arith.constant 0 : i32
      %dma_wait3A_88 = tpu.memref_slice %arg2[%dma_wait3A_86, %dma_wait3A_87] : memref<20000x128xf32, #tpu.memory_space<hbm>> -> memref<20000x128xf32, #tpu.memory_space<hbm>>
      tpu.wait_indirect_dma semaphore(%arg14 : memref<!tpu.dma_semaphore, #tpu.memory_space<semaphore_mem>>) src(%dma_wait3A_88 : memref<20000x128xf32, #tpu.memory_space<hbm>>) dst(%arg11 : memref<128x128xf32, #tpu.memory_space<vmem>>)
      "tpu.region"() ({
        %run_scoped3A = tpu.sem_alloc : memref<!tpu.dma_semaphore, #tpu.memory_space<semaphore_mem>>
        %dma_start3A_97 = arith.constant 0 : i32
        %dma_start3A_98 = arith.constant 0 : i32
        %dma_start3A_99 = tpu.memref_slice %arg12[%dma_start3A_97, %dma_start3A_98] : memref<10112x128xf32, #tpu.memory_space<vmem_shared>> -> memref<10112x128xf32, #tpu.memory_space<vmem_shared>>
        tpu.enqueue_indirect_dma source(%arg11 : memref<128x128xf32, #tpu.memory_space<vmem>>) target(%dma_start3A_99 : memref<10112x128xf32, #tpu.memory_space<vmem_shared>>) offsets(%arg9 : memref<128xi32, #tpu.memory_space<vmem>>) semaphore(%run_scoped3A : memref<!tpu.dma_semaphore, #tpu.memory_space<semaphore_mem>>) {add = true}
        %dma_wait3A_100 = arith.constant 0 : i32
        %dma_wait3A_101 = arith.constant 0 : i32
        %dma_wait3A_102 = tpu.memref_slice %arg12[%dma_wait3A_100, %dma_wait3A_101] : memref<10112x128xf32, #tpu.memory_space<vmem_shared>> -> memref<10112x128xf32, #tpu.memory_space<vmem_shared>>
        tpu.wait_indirect_dma semaphore(%run_scoped3A : memref<!tpu.dma_semaphore, #tpu.memory_space<semaphore_mem>>) src(%arg11 : memref<128x128xf32, #tpu.memory_space<vmem>>) dst(%dma_wait3A_102 : memref<10112x128xf32, #tpu.memory_space<vmem_shared>>)
        tpu.yield
      }) : () -> ()
      %add3A_89 = arith.constant 3 : i32
      %add3A_90 = arith.addi %mul3A_53, %add3A_89 : i32
      %lt3A_91 = arith.constant 80 : i32
      %lt3A_92 = arith.cmpi slt, %add3A_90, %lt3A_91 : i32
      %convert_element_type3A_93 = arith.extui %lt3A_92 : i1 to i32
      %cond3A_94 = arith.constant 0 : i32
      %cond3A_95 = arith.cmpi ne, %convert_element_type3A_93, %cond3A_94 : i32
      scf.if %cond3A_95 {
        %add3A_97 = arith.constant 3 : i32
        %add3A_98 = arith.addi %mul3A_53, %add3A_97 : i32
        %mul3A_99 = arith.constant 80 : i32
        %mul3A_100 = arith.muli %arg1, %mul3A_99 : i32
        %add3A_101 = arith.addi %mul3A_100, %add3A_98 : i32
        %mul3A_102 = arith.constant 128 : i32
        %mul3A_103 = arith.muli %add3A_101, %mul3A_102 : i32
        %multiple_of3A_104 = tpu.assume_multiple %mul3A_103, 8 : i32
        %dma_start3A_105 = tpu.memref_slice %arg4[%multiple_of3A_104] : memref<163840xi32, #tpu.memory_space<hbm>> -> memref<128xi32, #tpu.memory_space<hbm>>
        %dma_start3A_106 = tpu.memref_slice %arg4[%multiple_of3A_104] : memref<163840xi32, #tpu.memory_space<hbm>> -> memref<128xi32, #tpu.memory_space<hbm>>
        tpu.enqueue_dma source(%dma_start3A_106 : memref<128xi32, #tpu.memory_space<hbm>>) target(%arg9 : memref<128xi32, #tpu.memory_space<vmem>>) target_semaphore(%arg16 : memref<!tpu.dma_semaphore, #tpu.memory_space<semaphore_mem>>)
        %add3A_107 = arith.constant 3 : i32
        %add3A_108 = arith.addi %mul3A_53, %add3A_107 : i32
        %dma_start3A_109 = arith.constant 0 : i32
        %dma_start3A_110 = tpu.memref_slice %arg7[%add3A_108, %dma_start3A_109] : memref<80x128xi32, #tpu.memory_space<vmem>> -> memref<1x128xi32, #tpu.memory_space<vmem>>
        %dma_start3A_111 = tpu.memref_squeeze %dma_start3A_110 : memref<1x128xi32, #tpu.memory_space<vmem>> -> memref<128xi32, #tpu.memory_space<vmem>>
        %dma_start3A_112 = arith.constant 0 : i32
        %dma_start3A_113 = arith.constant 0 : i32
        %dma_start3A_114 = tpu.memref_slice %arg2[%dma_start3A_112, %dma_start3A_113] : memref<20000x128xf32, #tpu.memory_space<hbm>> -> memref<20000x128xf32, #tpu.memory_space<hbm>>
        tpu.enqueue_indirect_dma source(%dma_start3A_114 : memref<20000x128xf32, #tpu.memory_space<hbm>>) target(%arg11 : memref<128x128xf32, #tpu.memory_space<vmem>>) offsets(%dma_start3A_111 : memref<128xi32, #tpu.memory_space<vmem>>) semaphore(%arg14 : memref<!tpu.dma_semaphore, #tpu.memory_space<semaphore_mem>>)
      } else {
      }
      %scan3A_96 = arith.constant 0 : i32
      scf.yield %scan3A_96 : i32
    }
    %scan3A_48 = arith.constant 40 : i32
    %barrier3A_49 = arith.constant 0 : index
    tpu.barrier barrier_id(%barrier3A_49)
    "tpu.region"() ({
      %run_scoped3A = tpu.sem_alloc : memref<!tpu.dma_semaphore, #tpu.memory_space<semaphore_mem>>
      %dma_start3A_50 = arith.constant 0 : i32
      %dma_start3A_51 = tpu.memref_slice %arg6[%multiple_of3A_5, %dma_start3A_50] : memref<20224x128xf32, #tpu.memory_space<hbm>> -> memref<632x128xf32, #tpu.memory_space<hbm>>
      %dma_start3A_52 = arith.constant 0 : i32
      %dma_start3A_53 = tpu.memref_slice %arg12[%multiple_of3A, %dma_start3A_52] : memref<10112x128xf32, #tpu.memory_space<vmem_shared>> -> memref<632x128xf32, #tpu.memory_space<vmem_shared>>
      tpu.enqueue_dma source(%dma_start3A_53 : memref<632x128xf32, #tpu.memory_space<vmem_shared>>) target(%dma_start3A_51 : memref<632x128xf32, #tpu.memory_space<hbm>>) target_semaphore(%run_scoped3A : memref<!tpu.dma_semaphore, #tpu.memory_space<semaphore_mem>>)
      %dma_wait3A = arith.constant 0 : i32
      %dma_wait3A_54 = tpu.memref_slice %arg6[%multiple_of3A_5, %dma_wait3A] : memref<20224x128xf32, #tpu.memory_space<hbm>> -> memref<632x128xf32, #tpu.memory_space<hbm>>
      %dma_wait3A_55 = arith.constant 0 : i32
      %dma_wait3A_56 = tpu.memref_slice %arg12[%multiple_of3A, %dma_wait3A_55] : memref<10112x128xf32, #tpu.memory_space<vmem_shared>> -> memref<632x128xf32, #tpu.memory_space<vmem_shared>>
      tpu.wait_dma2 semaphore(%run_scoped3A : memref<!tpu.dma_semaphore, #tpu.memory_space<semaphore_mem>>) src(%dma_wait3A_56 : memref<632x128xf32, #tpu.memory_space<vmem_shared>>) dst(%dma_wait3A_54 : memref<632x128xf32, #tpu.memory_space<hbm>>)
      tpu.yield
    }) : () -> ()
    return
  }
}

module attributes {stable_mosaic.version = 14 : i64} {
  func.func @_fuse_body(%arg0: i32, %arg1: memref<1000x1xf32, #tpu.memory_space<vmem>>, %arg2: memref<1000x1xi32, #tpu.memory_space<vmem>>, %arg3: memref<1000x256xf32, #tpu.memory_space<vmem>>, %arg4: memref<32x256xf32, #tpu.memory_space<vmem>>, %arg5: memref<1x256xf32, #tpu.memory_space<vmem>>, %arg6: memref<32x256xf32, #tpu.memory_space<vmem>>, %arg7: memref<256x256xf32, #tpu.memory_space<vmem>>, %arg8: memref<256x256xf32, #tpu.memory_space<vmem>>, %arg9: memref<256x256xf32, #tpu.memory_space<vmem>>, %arg10: memref<1x256xf32, #tpu.memory_space<vmem>>, %arg11: memref<256x256xf32, #tpu.memory_space<vmem>>, %arg12: memref<1x256xf32, #tpu.memory_space<vmem>>, %arg13: memref<1x256xf32, #tpu.memory_space<vmem>>, %arg14: memref<1x256xf32, #tpu.memory_space<vmem>>, %arg15: memref<1000x128xf32, #tpu.memory_space<vmem>>, %arg16: memref<1000x128xf32, #tpu.memory_space<vmem>>) attributes {dimension_semantics = [#tpu.dimension_semantics<arbitrary>], iteration_bounds = array<i64: 10>, scalar_prefetch = 0 : i64, scratch_operands = 0 : i64, tpu.core_type = #tpu.core_type<tc>, window_params = [{transform_indices = @transform_0, window_bounds = array<i64: 1000, 1>}, {transform_indices = @transform_1, window_bounds = array<i64: 1000, 1>}, {transform_indices = @transform_2, window_bounds = array<i64: 1000, 256>}, {pipeline_mode = #tpu.pipeline_mode<synchronous>, transform_indices = @transform_3, window_bounds = array<i64: 32, 256>}, {pipeline_mode = #tpu.pipeline_mode<synchronous>, transform_indices = @transform_4, window_bounds = array<i64: 1, 256>}, {pipeline_mode = #tpu.pipeline_mode<synchronous>, transform_indices = @transform_5, window_bounds = array<i64: 32, 256>}, {pipeline_mode = #tpu.pipeline_mode<synchronous>, transform_indices = @transform_6, window_bounds = array<i64: 256, 256>}, {pipeline_mode = #tpu.pipeline_mode<synchronous>, transform_indices = @transform_7, window_bounds = array<i64: 256, 256>}, {pipeline_mode = #tpu.pipeline_mode<synchronous>, transform_indices = @transform_8, window_bounds = array<i64: 256, 256>}, {pipeline_mode = #tpu.pipeline_mode<synchronous>, transform_indices = @transform_9, window_bounds = array<i64: 1, 256>}, {pipeline_mode = #tpu.pipeline_mode<synchronous>, transform_indices = @transform_10, window_bounds = array<i64: 256, 256>}, {pipeline_mode = #tpu.pipeline_mode<synchronous>, transform_indices = @transform_11, window_bounds = array<i64: 1, 256>}, {pipeline_mode = #tpu.pipeline_mode<synchronous>, transform_indices = @transform_12, window_bounds = array<i64: 1, 256>}, {pipeline_mode = #tpu.pipeline_mode<synchronous>, transform_indices = @transform_13, window_bounds = array<i64: 1, 256>}, {transform_indices = @transform_14, window_bounds = array<i64: 1000, 128>}, {transform_indices = @transform_15, window_bounds = array<i64: 1000, 128>}]} {
    %get3A = arith.constant 0 : index
    %get3A_0 = arith.constant 0 : index
    %get3A_1 = vector.load %arg3[%get3A, %get3A_0] : memref<1000x256xf32, #tpu.memory_space<vmem>>, vector<1000x256xf32>
    %get3A_2 = arith.constant 0 : index
    %get3A_3 = arith.constant 0 : index
    %get3A_4 = vector.load %arg1[%get3A_2, %get3A_3] : memref<1000x1xf32, #tpu.memory_space<vmem>>, vector<1000x1xf32>
    %iota3A = tpu.iota {dimensions = array<i32: 1>} : vector<1x16xi32>
    %convert_element_type3A = arith.sitofp %iota3A : vector<1x16xi32> to vector<1x16xf32>
    %mul3A = arith.constant -0.575646281 : f32
    %mul3A_5 = vector.broadcast %mul3A : f32 to vector<1x16xf32>
    %mul3A_6 = arith.mulf %mul3A_5, %convert_element_type3A : vector<1x16xf32>
    %exp3A = math.exp %mul3A_6 : vector<1x16xf32>
    %mul3A_7 = vector.broadcast %get3A_4 : vector<1000x1xf32> to vector<1000x16xf32>
    %mul3A_8 = vector.broadcast %exp3A : vector<1x16xf32> to vector<1000x16xf32>
    %mul3A_9 = arith.mulf %mul3A_7, %mul3A_8 : vector<1000x16xf32>
    %sin3A = math.sin %mul3A_9 : vector<1000x16xf32>
    %cos3A = math.cos %mul3A_9 : vector<1000x16xf32>
    %concatenate3A = tpu.concatenate %sin3A, %cos3A in 1 : vector<1000x16xf32>, vector<1000x16xf32> -> vector<1000x32xf32>
    %get3A_10 = arith.constant 0 : index
    %get3A_11 = arith.constant 0 : index
    %get3A_12 = vector.load %arg4[%get3A_10, %get3A_11] : memref<32x256xf32, #tpu.memory_space<vmem>>, vector<32x256xf32>
    %dot_general3A = arith.constant dense<0.000000e+00> : vector<1000x256xf32>
    %dot_general3A_13 = tpu.matmul %concatenate3A, %get3A_12, %dot_general3A {dimension_numbers = #tpu.dot_dimension_numbers<[1], [0], [0], [1], [0, 0, 1, 1], [], []>, transpose_lhs_hint = false} : vector<1000x32xf32>, vector<32x256xf32>, vector<1000x256xf32> -> vector<1000x256xf32>
    %get3A_14 = arith.constant 0 : index
    %get3A_15 = arith.constant 0 : index
    %get3A_16 = vector.load %arg5[%get3A_14, %get3A_15] : memref<1x256xf32, #tpu.memory_space<vmem>>, vector<1x256xf32>
    %add3A = vector.broadcast %get3A_16 : vector<1x256xf32> to vector<1000x256xf32>
    %add3A_17 = arith.addf %dot_general3A_13, %add3A : vector<1000x256xf32>
    %get3A_18 = arith.constant 0 : index
    %get3A_19 = arith.constant 0 : index
    %get3A_20 = vector.load %arg2[%get3A_18, %get3A_19] : memref<1000x1xi32, #tpu.memory_space<vmem>>, vector<1000x1xi32>
    %iota3A_21 = tpu.iota {dimensions = array<i32: 1>} : vector<1000x32xi32>
    %eq3A = vector.broadcast %get3A_20 : vector<1000x1xi32> to vector<1000x32xi32>
    %eq3A_22 = arith.cmpi eq, %iota3A_21, %eq3A : vector<1000x32xi32>
    %convert_element_type3A_23 = arith.extui %eq3A_22 : vector<1000x32xi1> to vector<1000x32xi32>
    %convert_element_type3A_24 = arith.sitofp %convert_element_type3A_23 : vector<1000x32xi32> to vector<1000x32xf32>
    %get3A_25 = arith.constant 0 : index
    %get3A_26 = arith.constant 0 : index
    %get3A_27 = vector.load %arg6[%get3A_25, %get3A_26] : memref<32x256xf32, #tpu.memory_space<vmem>>, vector<32x256xf32>
    %dot_general3A_28 = arith.constant dense<0.000000e+00> : vector<1000x256xf32>
    %dot_general3A_29 = tpu.matmul %convert_element_type3A_24, %get3A_27, %dot_general3A_28 {dimension_numbers = #tpu.dot_dimension_numbers<[1], [0], [0], [1], [0, 0, 1, 1], [], []>, transpose_lhs_hint = false} : vector<1000x32xf32>, vector<32x256xf32>, vector<1000x256xf32> -> vector<1000x256xf32>
    %get3A_30 = arith.constant 0 : index
    %get3A_31 = arith.constant 0 : index
    %get3A_32 = vector.load %arg7[%get3A_30, %get3A_31] : memref<256x256xf32, #tpu.memory_space<vmem>>, vector<256x256xf32>
    %dot_general3A_33 = arith.constant dense<0.000000e+00> : vector<1000x256xf32>
    %dot_general3A_34 = tpu.matmul %get3A_1, %get3A_32, %dot_general3A_33 {dimension_numbers = #tpu.dot_dimension_numbers<[1], [0], [0], [1], [0, 0, 1, 1], [], []>, transpose_lhs_hint = false} : vector<1000x256xf32>, vector<256x256xf32>, vector<1000x256xf32> -> vector<1000x256xf32>
    %get3A_35 = arith.constant 0 : index
    %get3A_36 = arith.constant 0 : index
    %get3A_37 = vector.load %arg8[%get3A_35, %get3A_36] : memref<256x256xf32, #tpu.memory_space<vmem>>, vector<256x256xf32>
    %dot_general3A_38 = arith.constant dense<0.000000e+00> : vector<1000x256xf32>
    %dot_general3A_39 = tpu.matmul %add3A_17, %get3A_37, %dot_general3A_38 {dimension_numbers = #tpu.dot_dimension_numbers<[1], [0], [0], [1], [0, 0, 1, 1], [], []>, transpose_lhs_hint = false} : vector<1000x256xf32>, vector<256x256xf32>, vector<1000x256xf32> -> vector<1000x256xf32>
    %add3A_40 = arith.addf %dot_general3A_34, %dot_general3A_39 : vector<1000x256xf32>
    %get3A_41 = arith.constant 0 : index
    %get3A_42 = arith.constant 0 : index
    %get3A_43 = vector.load %arg9[%get3A_41, %get3A_42] : memref<256x256xf32, #tpu.memory_space<vmem>>, vector<256x256xf32>
    %dot_general3A_44 = arith.constant dense<0.000000e+00> : vector<1000x256xf32>
    %dot_general3A_45 = tpu.matmul %dot_general3A_29, %get3A_43, %dot_general3A_44 {dimension_numbers = #tpu.dot_dimension_numbers<[1], [0], [0], [1], [0, 0, 1, 1], [], []>, transpose_lhs_hint = false} : vector<1000x256xf32>, vector<256x256xf32>, vector<1000x256xf32> -> vector<1000x256xf32>
    %add3A_46 = arith.addf %add3A_40, %dot_general3A_45 : vector<1000x256xf32>
    %get3A_47 = arith.constant 0 : index
    %get3A_48 = arith.constant 0 : index
    %get3A_49 = vector.load %arg10[%get3A_47, %get3A_48] : memref<1x256xf32, #tpu.memory_space<vmem>>, vector<1x256xf32>
    %add3A_50 = vector.broadcast %get3A_49 : vector<1x256xf32> to vector<1000x256xf32>
    %add3A_51 = arith.addf %add3A_46, %add3A_50 : vector<1000x256xf32>
    %max3A = arith.constant 0.000000e+00 : f32
    %max3A_52 = vector.broadcast %max3A : f32 to vector<1000x256xf32>
    %max3A_53 = arith.maximumf %add3A_51, %max3A_52 : vector<1000x256xf32>
    %get3A_54 = arith.constant 0 : index
    %get3A_55 = arith.constant 0 : index
    %get3A_56 = vector.load %arg11[%get3A_54, %get3A_55] : memref<256x256xf32, #tpu.memory_space<vmem>>, vector<256x256xf32>
    %dot_general3A_57 = arith.constant dense<0.000000e+00> : vector<1000x256xf32>
    %dot_general3A_58 = tpu.matmul %max3A_53, %get3A_56, %dot_general3A_57 {dimension_numbers = #tpu.dot_dimension_numbers<[1], [0], [0], [1], [0, 0, 1, 1], [], []>, transpose_lhs_hint = false} : vector<1000x256xf32>, vector<256x256xf32>, vector<1000x256xf32> -> vector<1000x256xf32>
    %get3A_59 = arith.constant 0 : index
    %get3A_60 = arith.constant 0 : index
    %get3A_61 = vector.load %arg12[%get3A_59, %get3A_60] : memref<1x256xf32, #tpu.memory_space<vmem>>, vector<1x256xf32>
    %add3A_62 = vector.broadcast %get3A_61 : vector<1x256xf32> to vector<1000x256xf32>
    %add3A_63 = arith.addf %dot_general3A_58, %add3A_62 : vector<1000x256xf32>
    %add3A_64 = arith.addf %get3A_1, %add3A_63 : vector<1000x256xf32>
    %reduce_sum3A = arith.constant dense<0.000000e+00> : vector<1000xf32>
    %reduce_sum3A_65 = vector.multi_reduction <add>, %add3A_64, %reduce_sum3A [1] : vector<1000x256xf32> to vector<1000xf32>
    %broadcast_in_dim3A = vector.shape_cast %reduce_sum3A_65 : vector<1000xf32> to vector<1000x1xf32>
    %div3A = arith.constant 2.560000e+02 : f32
    %div3A_66 = vector.broadcast %div3A : f32 to vector<1000x1xf32>
    %div3A_67 = arith.divf %broadcast_in_dim3A, %div3A_66 : vector<1000x1xf32>
    %sub3A = vector.broadcast %div3A_67 : vector<1000x1xf32> to vector<1000x256xf32>
    %sub3A_68 = arith.subf %add3A_64, %sub3A : vector<1000x256xf32>
    %integer_pow3A = arith.mulf %sub3A_68, %sub3A_68 : vector<1000x256xf32>
    %reduce_sum3A_69 = arith.constant dense<0.000000e+00> : vector<1000xf32>
    %reduce_sum3A_70 = vector.multi_reduction <add>, %integer_pow3A, %reduce_sum3A_69 [1] : vector<1000x256xf32> to vector<1000xf32>
    %broadcast_in_dim3A_71 = vector.shape_cast %reduce_sum3A_70 : vector<1000xf32> to vector<1000x1xf32>
    %div3A_72 = arith.constant 2.560000e+02 : f32
    %div3A_73 = vector.broadcast %div3A_72 : f32 to vector<1000x1xf32>
    %div3A_74 = arith.divf %broadcast_in_dim3A_71, %div3A_73 : vector<1000x1xf32>
    %sub3A_75 = vector.broadcast %div3A_67 : vector<1000x1xf32> to vector<1000x256xf32>
    %sub3A_76 = arith.subf %add3A_64, %sub3A_75 : vector<1000x256xf32>
    %add3A_77 = arith.constant 9.99999974E-6 : f32
    %add3A_78 = vector.broadcast %add3A_77 : f32 to vector<1000x1xf32>
    %add3A_79 = arith.addf %div3A_74, %add3A_78 : vector<1000x1xf32>
    %rsqrt3A = math.rsqrt %add3A_79 : vector<1000x1xf32>
    %mul3A_80 = vector.broadcast %rsqrt3A : vector<1000x1xf32> to vector<1000x256xf32>
    %mul3A_81 = arith.mulf %sub3A_76, %mul3A_80 : vector<1000x256xf32>
    %get3A_82 = arith.constant 0 : index
    %get3A_83 = arith.constant 0 : index
    %get3A_84 = vector.load %arg13[%get3A_82, %get3A_83] : memref<1x256xf32, #tpu.memory_space<vmem>>, vector<1x256xf32>
    %mul3A_85 = vector.broadcast %get3A_84 : vector<1x256xf32> to vector<1000x256xf32>
    %mul3A_86 = arith.mulf %mul3A_81, %mul3A_85 : vector<1000x256xf32>
    %get3A_87 = arith.constant 0 : index
    %get3A_88 = arith.constant 0 : index
    %get3A_89 = vector.load %arg14[%get3A_87, %get3A_88] : memref<1x256xf32, #tpu.memory_space<vmem>>, vector<1x256xf32>
    %add3A_90 = vector.broadcast %get3A_89 : vector<1x256xf32> to vector<1000x256xf32>
    %add3A_91 = arith.addf %mul3A_86, %add3A_90 : vector<1000x256xf32>
    %slice3A = vector.extract_strided_slice %add3A_91 {offsets = [0, 0], sizes = [1000, 128], strides = [1, 1]} : vector<1000x256xf32> to vector<1000x128xf32>
    %swap3A = arith.constant 0 : index
    %swap3A_92 = arith.constant 0 : index
    %swap3A_93 = vector.load %arg15[%swap3A, %swap3A_92] : memref<1000x128xf32, #tpu.memory_space<vmem>>, vector<1000x128xf32>
    tpu.vector_store %arg15[%swap3A, %swap3A_92], %slice3A {strides = array<i32>} : memref<1000x128xf32, #tpu.memory_space<vmem>>, vector<1000x128xf32>,
    %slice3A_94 = vector.extract_strided_slice %add3A_91 {offsets = [0, 128], sizes = [1000, 128], strides = [1, 1]} : vector<1000x256xf32> to vector<1000x128xf32>
    %swap3A_95 = arith.constant 0 : index
    %swap3A_96 = arith.constant 0 : index
    %swap3A_97 = vector.load %arg16[%swap3A_95, %swap3A_96] : memref<1000x128xf32, #tpu.memory_space<vmem>>, vector<1000x128xf32>
    tpu.vector_store %arg16[%swap3A_95, %swap3A_96], %slice3A_94 {strides = array<i32>} : memref<1000x128xf32, #tpu.memory_space<vmem>>, vector<1000x128xf32>,
    return
  }
  func.func @transform_0(%arg0: i32) -> (i32, i32) {
    %c0_i32 = arith.constant 0 : i32
    %c0_i32_0 = arith.constant 0 : i32
    return %arg0, %c0_i32 : i32, i32
  }
  func.func @transform_1(%arg0: i32) -> (i32, i32) {
    %c0_i32 = arith.constant 0 : i32
    %c0_i32_0 = arith.constant 0 : i32
    return %arg0, %c0_i32 : i32, i32
  }
  func.func @transform_2(%arg0: i32) -> (i32, i32) {
    %c0_i32 = arith.constant 0 : i32
    %c0_i32_0 = arith.constant 0 : i32
    return %arg0, %c0_i32 : i32, i32
  }
  func.func @transform_3(%arg0: i32) -> (i32, i32) {
    %c0_i32 = arith.constant 0 : i32
    %c0_i32_0 = arith.constant 0 : i32
    %c0_i32_1 = arith.constant 0 : i32
    return %c0_i32, %c0_i32_0 : i32, i32
  }
  func.func @transform_4(%arg0: i32) -> (i32, i32) {
    %c0_i32 = arith.constant 0 : i32
    %c0_i32_0 = arith.constant 0 : i32
    %c0_i32_1 = arith.constant 0 : i32
    return %c0_i32, %c0_i32_0 : i32, i32
  }
  func.func @transform_5(%arg0: i32) -> (i32, i32) {
    %c0_i32 = arith.constant 0 : i32
    %c0_i32_0 = arith.constant 0 : i32
    %c0_i32_1 = arith.constant 0 : i32
    return %c0_i32, %c0_i32_0 : i32, i32
  }
  func.func @transform_6(%arg0: i32) -> (i32, i32) {
    %c0_i32 = arith.constant 0 : i32
    %c0_i32_0 = arith.constant 0 : i32
    %c0_i32_1 = arith.constant 0 : i32
    return %c0_i32, %c0_i32_0 : i32, i32
  }
  func.func @transform_7(%arg0: i32) -> (i32, i32) {
    %c0_i32 = arith.constant 0 : i32
    %c0_i32_0 = arith.constant 0 : i32
    %c0_i32_1 = arith.constant 0 : i32
    return %c0_i32, %c0_i32_0 : i32, i32
  }
  func.func @transform_8(%arg0: i32) -> (i32, i32) {
    %c0_i32 = arith.constant 0 : i32
    %c0_i32_0 = arith.constant 0 : i32
    %c0_i32_1 = arith.constant 0 : i32
    return %c0_i32, %c0_i32_0 : i32, i32
  }
  func.func @transform_9(%arg0: i32) -> (i32, i32) {
    %c0_i32 = arith.constant 0 : i32
    %c0_i32_0 = arith.constant 0 : i32
    %c0_i32_1 = arith.constant 0 : i32
    return %c0_i32, %c0_i32_0 : i32, i32
  }
  func.func @transform_10(%arg0: i32) -> (i32, i32) {
    %c0_i32 = arith.constant 0 : i32
    %c0_i32_0 = arith.constant 0 : i32
    %c0_i32_1 = arith.constant 0 : i32
    return %c0_i32, %c0_i32_0 : i32, i32
  }
  func.func @transform_11(%arg0: i32) -> (i32, i32) {
    %c0_i32 = arith.constant 0 : i32
    %c0_i32_0 = arith.constant 0 : i32
    %c0_i32_1 = arith.constant 0 : i32
    return %c0_i32, %c0_i32_0 : i32, i32
  }
  func.func @transform_12(%arg0: i32) -> (i32, i32) {
    %c0_i32 = arith.constant 0 : i32
    %c0_i32_0 = arith.constant 0 : i32
    %c0_i32_1 = arith.constant 0 : i32
    return %c0_i32, %c0_i32_0 : i32, i32
  }
  func.func @transform_13(%arg0: i32) -> (i32, i32) {
    %c0_i32 = arith.constant 0 : i32
    %c0_i32_0 = arith.constant 0 : i32
    %c0_i32_1 = arith.constant 0 : i32
    return %c0_i32, %c0_i32_0 : i32, i32
  }
  func.func @transform_14(%arg0: i32) -> (i32, i32) {
    %c0_i32 = arith.constant 0 : i32
    %c0_i32_0 = arith.constant 0 : i32
    return %arg0, %c0_i32 : i32, i32
  }
  func.func @transform_15(%arg0: i32) -> (i32, i32) {
    %c0_i32 = arith.constant 0 : i32
    %c0_i32_0 = arith.constant 0 : i32
    return %arg0, %c0_i32 : i32, i32
  }
}

module attributes {stable_mosaic.version = 14 : i64} {
  func.func @_mp_body(%arg0: i32, %arg1: memref<1000x128xf32, #tpu.memory_space<vmem>>, %arg2: memref<1000x128xf32, #tpu.memory_space<vmem>>, %arg3: memref<1x1000x128xf32, #tpu.memory_space<vmem>>, %arg4: memref<1x1000x128xf32, #tpu.memory_space<vmem>>, %arg5: memref<1x1000x128xf32, #tpu.memory_space<vmem>>, %arg6: memref<1x1000x128xf32, #tpu.memory_space<vmem>>, %arg7: memref<128x256xf32, #tpu.memory_space<vmem>>, %arg8: memref<128x256xf32, #tpu.memory_space<vmem>>, %arg9: memref<128x256xf32, #tpu.memory_space<vmem>>, %arg10: memref<128x256xf32, #tpu.memory_space<vmem>>, %arg11: memref<1x256xf32, #tpu.memory_space<vmem>>, %arg12: memref<1x256xf32, #tpu.memory_space<vmem>>, %arg13: memref<1x256xf32, #tpu.memory_space<vmem>>, %arg14: memref<1000x128xf32, #tpu.memory_space<vmem>>, %arg15: memref<1000x128xf32, #tpu.memory_space<vmem>>) attributes {dimension_semantics = [#tpu.dimension_semantics<arbitrary>], iteration_bounds = array<i64: 10>, scalar_prefetch = 0 : i64, scratch_operands = 0 : i64, tpu.core_type = #tpu.core_type<tc>, window_params = [{transform_indices = @transform_0, window_bounds = array<i64: 1000, 128>}, {transform_indices = @transform_1, window_bounds = array<i64: 1000, 128>}, {transform_indices = @transform_2, window_bounds = array<i64: 1, 1000, 128>}, {transform_indices = @transform_3, window_bounds = array<i64: 1, 1000, 128>}, {transform_indices = @transform_4, window_bounds = array<i64: 1, 1000, 128>}, {transform_indices = @transform_5, window_bounds = array<i64: 1, 1000, 128>}, {pipeline_mode = #tpu.pipeline_mode<synchronous>, transform_indices = @transform_6, window_bounds = array<i64: 128, 256>}, {pipeline_mode = #tpu.pipeline_mode<synchronous>, transform_indices = @transform_7, window_bounds = array<i64: 128, 256>}, {pipeline_mode = #tpu.pipeline_mode<synchronous>, transform_indices = @transform_8, window_bounds = array<i64: 128, 256>}, {pipeline_mode = #tpu.pipeline_mode<synchronous>, transform_indices = @transform_9, window_bounds = array<i64: 128, 256>}, {pipeline_mode = #tpu.pipeline_mode<synchronous>, transform_indices = @transform_10, window_bounds = array<i64: 1, 256>}, {pipeline_mode = #tpu.pipeline_mode<synchronous>, transform_indices = @transform_11, window_bounds = array<i64: 1, 256>}, {pipeline_mode = #tpu.pipeline_mode<synchronous>, transform_indices = @transform_12, window_bounds = array<i64: 1, 256>}, {transform_indices = @transform_13, window_bounds = array<i64: 1000, 128>}, {transform_indices = @transform_14, window_bounds = array<i64: 1000, 128>}]} {
    %get3A = arith.constant 0 : index
    %get3A_0 = arith.constant 0 : index
    %get3A_1 = vector.load %arg1[%get3A, %get3A_0] : memref<1000x128xf32, #tpu.memory_space<vmem>>, vector<1000x128xf32>
    %get3A_2 = arith.constant 0 : index
    %get3A_3 = arith.constant 0 : index
    %get3A_4 = vector.load %arg2[%get3A_2, %get3A_3] : memref<1000x128xf32, #tpu.memory_space<vmem>>, vector<1000x128xf32>
    %get3A_5 = arith.constant 0 : index
    %get3A_6 = arith.constant 0 : index
    %get3A_7 = arith.constant 0 : index
    %get3A_8 = vector.load %arg5[%get3A_5, %get3A_6, %get3A_7] : memref<1x1000x128xf32, #tpu.memory_space<vmem>>, vector<1x1000x128xf32>
    %get3A_9 = vector.shape_cast %get3A_8 : vector<1x1000x128xf32> to vector<1000x128xf32>
    %slice3A = vector.extract_strided_slice %get3A_9 {offsets = [0, 0], sizes = [1000, 1], strides = [1, 1]} : vector<1000x128xf32> to vector<1000x1xf32>
    %get3A_10 = arith.constant 0 : index
    %get3A_11 = arith.constant 0 : index
    %get3A_12 = arith.constant 0 : index
    %get3A_13 = vector.load %arg6[%get3A_10, %get3A_11, %get3A_12] : memref<1x1000x128xf32, #tpu.memory_space<vmem>>, vector<1x1000x128xf32>
    %get3A_14 = vector.shape_cast %get3A_13 : vector<1x1000x128xf32> to vector<1000x128xf32>
    %slice3A_15 = vector.extract_strided_slice %get3A_14 {offsets = [0, 0], sizes = [1000, 1], strides = [1, 1]} : vector<1000x128xf32> to vector<1000x1xf32>
    %add3A = arith.addf %slice3A, %slice3A_15 : vector<1000x1xf32>
    %max3A = arith.constant 1.000000e+00 : f32
    %max3A_16 = vector.broadcast %max3A : f32 to vector<1000x1xf32>
    %max3A_17 = arith.maximumf %add3A, %max3A_16 : vector<1000x1xf32>
    %div3A = arith.constant 1.000000e+00 : f32
    %div3A_18 = vector.broadcast %div3A : f32 to vector<1000x1xf32>
    %div3A_19 = arith.divf %div3A_18, %max3A_17 : vector<1000x1xf32>
    %get3A_20 = arith.constant 0 : index
    %get3A_21 = arith.constant 0 : index
    %get3A_22 = arith.constant 0 : index
    %get3A_23 = vector.load %arg3[%get3A_20, %get3A_21, %get3A_22] : memref<1x1000x128xf32, #tpu.memory_space<vmem>>, vector<1x1000x128xf32>
    %get3A_24 = vector.shape_cast %get3A_23 : vector<1x1000x128xf32> to vector<1000x128xf32>
    %mul3A = vector.broadcast %div3A_19 : vector<1000x1xf32> to vector<1000x128xf32>
    %mul3A_25 = arith.mulf %get3A_24, %mul3A : vector<1000x128xf32>
    %get3A_26 = arith.constant 0 : index
    %get3A_27 = arith.constant 0 : index
    %get3A_28 = arith.constant 0 : index
    %get3A_29 = vector.load %arg4[%get3A_26, %get3A_27, %get3A_28] : memref<1x1000x128xf32, #tpu.memory_space<vmem>>, vector<1x1000x128xf32>
    %get3A_30 = vector.shape_cast %get3A_29 : vector<1x1000x128xf32> to vector<1000x128xf32>
    %mul3A_31 = vector.broadcast %div3A_19 : vector<1000x1xf32> to vector<1000x128xf32>
    %mul3A_32 = arith.mulf %get3A_30, %mul3A_31 : vector<1000x128xf32>
    %get3A_33 = arith.constant 0 : index
    %get3A_34 = arith.constant 0 : index
    %get3A_35 = vector.load %arg7[%get3A_33, %get3A_34] : memref<128x256xf32, #tpu.memory_space<vmem>>, vector<128x256xf32>
    %dot_general3A = arith.constant dense<0.000000e+00> : vector<1000x256xf32>
    %dot_general3A_36 = tpu.matmul %get3A_1, %get3A_35, %dot_general3A {dimension_numbers = #tpu.dot_dimension_numbers<[1], [0], [0], [1], [0, 0, 1, 1], [], []>, transpose_lhs_hint = false} : vector<1000x128xf32>, vector<128x256xf32>, vector<1000x256xf32> -> vector<1000x256xf32>
    %get3A_37 = arith.constant 0 : index
    %get3A_38 = arith.constant 0 : index
    %get3A_39 = vector.load %arg8[%get3A_37, %get3A_38] : memref<128x256xf32, #tpu.memory_space<vmem>>, vector<128x256xf32>
    %dot_general3A_40 = arith.constant dense<0.000000e+00> : vector<1000x256xf32>
    %dot_general3A_41 = tpu.matmul %get3A_4, %get3A_39, %dot_general3A_40 {dimension_numbers = #tpu.dot_dimension_numbers<[1], [0], [0], [1], [0, 0, 1, 1], [], []>, transpose_lhs_hint = false} : vector<1000x128xf32>, vector<128x256xf32>, vector<1000x256xf32> -> vector<1000x256xf32>
    %add3A_42 = arith.addf %dot_general3A_36, %dot_general3A_41 : vector<1000x256xf32>
    %get3A_43 = arith.constant 0 : index
    %get3A_44 = arith.constant 0 : index
    %get3A_45 = vector.load %arg9[%get3A_43, %get3A_44] : memref<128x256xf32, #tpu.memory_space<vmem>>, vector<128x256xf32>
    %dot_general3A_46 = arith.constant dense<0.000000e+00> : vector<1000x256xf32>
    %dot_general3A_47 = tpu.matmul %mul3A_25, %get3A_45, %dot_general3A_46 {dimension_numbers = #tpu.dot_dimension_numbers<[1], [0], [0], [1], [0, 0, 1, 1], [], []>, transpose_lhs_hint = false} : vector<1000x128xf32>, vector<128x256xf32>, vector<1000x256xf32> -> vector<1000x256xf32>
    %add3A_48 = arith.addf %add3A_42, %dot_general3A_47 : vector<1000x256xf32>
    %get3A_49 = arith.constant 0 : index
    %get3A_50 = arith.constant 0 : index
    %get3A_51 = vector.load %arg10[%get3A_49, %get3A_50] : memref<128x256xf32, #tpu.memory_space<vmem>>, vector<128x256xf32>
    %dot_general3A_52 = arith.constant dense<0.000000e+00> : vector<1000x256xf32>
    %dot_general3A_53 = tpu.matmul %mul3A_32, %get3A_51, %dot_general3A_52 {dimension_numbers = #tpu.dot_dimension_numbers<[1], [0], [0], [1], [0, 0, 1, 1], [], []>, transpose_lhs_hint = false} : vector<1000x128xf32>, vector<128x256xf32>, vector<1000x256xf32> -> vector<1000x256xf32>
    %add3A_54 = arith.addf %add3A_48, %dot_general3A_53 : vector<1000x256xf32>
    %get3A_55 = arith.constant 0 : index
    %get3A_56 = arith.constant 0 : index
    %get3A_57 = vector.load %arg11[%get3A_55, %get3A_56] : memref<1x256xf32, #tpu.memory_space<vmem>>, vector<1x256xf32>
    %add3A_58 = vector.broadcast %get3A_57 : vector<1x256xf32> to vector<1000x256xf32>
    %add3A_59 = arith.addf %add3A_54, %add3A_58 : vector<1000x256xf32>
    %concatenate3A = tpu.concatenate %get3A_1, %get3A_4 in 1 : vector<1000x128xf32>, vector<1000x128xf32> -> vector<1000x256xf32>
    %max3A_60 = arith.constant 0.000000e+00 : f32
    %max3A_61 = vector.broadcast %max3A_60 : f32 to vector<1000x256xf32>
    %max3A_62 = arith.maximumf %add3A_59, %max3A_61 : vector<1000x256xf32>
    %add3A_63 = arith.addf %concatenate3A, %max3A_62 : vector<1000x256xf32>
    %reduce_sum3A = arith.constant dense<0.000000e+00> : vector<1000xf32>
    %reduce_sum3A_64 = vector.multi_reduction <add>, %add3A_63, %reduce_sum3A [1] : vector<1000x256xf32> to vector<1000xf32>
    %broadcast_in_dim3A = vector.shape_cast %reduce_sum3A_64 : vector<1000xf32> to vector<1000x1xf32>
    %div3A_65 = arith.constant 2.560000e+02 : f32
    %div3A_66 = vector.broadcast %div3A_65 : f32 to vector<1000x1xf32>
    %div3A_67 = arith.divf %broadcast_in_dim3A, %div3A_66 : vector<1000x1xf32>
    %sub3A = vector.broadcast %div3A_67 : vector<1000x1xf32> to vector<1000x256xf32>
    %sub3A_68 = arith.subf %add3A_63, %sub3A : vector<1000x256xf32>
    %integer_pow3A = arith.mulf %sub3A_68, %sub3A_68 : vector<1000x256xf32>
    %reduce_sum3A_69 = arith.constant dense<0.000000e+00> : vector<1000xf32>
    %reduce_sum3A_70 = vector.multi_reduction <add>, %integer_pow3A, %reduce_sum3A_69 [1] : vector<1000x256xf32> to vector<1000xf32>
    %broadcast_in_dim3A_71 = vector.shape_cast %reduce_sum3A_70 : vector<1000xf32> to vector<1000x1xf32>
    %div3A_72 = arith.constant 2.560000e+02 : f32
    %div3A_73 = vector.broadcast %div3A_72 : f32 to vector<1000x1xf32>
    %div3A_74 = arith.divf %broadcast_in_dim3A_71, %div3A_73 : vector<1000x1xf32>
    %sub3A_75 = vector.broadcast %div3A_67 : vector<1000x1xf32> to vector<1000x256xf32>
    %sub3A_76 = arith.subf %add3A_63, %sub3A_75 : vector<1000x256xf32>
    %add3A_77 = arith.constant 9.99999974E-6 : f32
    %add3A_78 = vector.broadcast %add3A_77 : f32 to vector<1000x1xf32>
    %add3A_79 = arith.addf %div3A_74, %add3A_78 : vector<1000x1xf32>
    %rsqrt3A = math.rsqrt %add3A_79 : vector<1000x1xf32>
    %mul3A_80 = vector.broadcast %rsqrt3A : vector<1000x1xf32> to vector<1000x256xf32>
    %mul3A_81 = arith.mulf %sub3A_76, %mul3A_80 : vector<1000x256xf32>
    %get3A_82 = arith.constant 0 : index
    %get3A_83 = arith.constant 0 : index
    %get3A_84 = vector.load %arg12[%get3A_82, %get3A_83] : memref<1x256xf32, #tpu.memory_space<vmem>>, vector<1x256xf32>
    %mul3A_85 = vector.broadcast %get3A_84 : vector<1x256xf32> to vector<1000x256xf32>
    %mul3A_86 = arith.mulf %mul3A_81, %mul3A_85 : vector<1000x256xf32>
    %get3A_87 = arith.constant 0 : index
    %get3A_88 = arith.constant 0 : index
    %get3A_89 = vector.load %arg13[%get3A_87, %get3A_88] : memref<1x256xf32, #tpu.memory_space<vmem>>, vector<1x256xf32>
    %add3A_90 = vector.broadcast %get3A_89 : vector<1x256xf32> to vector<1000x256xf32>
    %add3A_91 = arith.addf %mul3A_86, %add3A_90 : vector<1000x256xf32>
    %slice3A_92 = vector.extract_strided_slice %add3A_91 {offsets = [0, 0], sizes = [1000, 128], strides = [1, 1]} : vector<1000x256xf32> to vector<1000x128xf32>
    %swap3A = arith.constant 0 : index
    %swap3A_93 = arith.constant 0 : index
    %swap3A_94 = vector.load %arg14[%swap3A, %swap3A_93] : memref<1000x128xf32, #tpu.memory_space<vmem>>, vector<1000x128xf32>
    tpu.vector_store %arg14[%swap3A, %swap3A_93], %slice3A_92 {strides = array<i32>} : memref<1000x128xf32, #tpu.memory_space<vmem>>, vector<1000x128xf32>,
    %slice3A_95 = vector.extract_strided_slice %add3A_91 {offsets = [0, 128], sizes = [1000, 128], strides = [1, 1]} : vector<1000x256xf32> to vector<1000x128xf32>
    %swap3A_96 = arith.constant 0 : index
    %swap3A_97 = arith.constant 0 : index
    %swap3A_98 = vector.load %arg15[%swap3A_96, %swap3A_97] : memref<1000x128xf32, #tpu.memory_space<vmem>>, vector<1000x128xf32>
    tpu.vector_store %arg15[%swap3A_96, %swap3A_97], %slice3A_95 {strides = array<i32>} : memref<1000x128xf32, #tpu.memory_space<vmem>>, vector<1000x128xf32>,
    return
  }
  func.func @transform_0(%arg0: i32) -> (i32, i32) {
    %c0_i32 = arith.constant 0 : i32
    %c0_i32_0 = arith.constant 0 : i32
    return %arg0, %c0_i32 : i32, i32
  }
  func.func @transform_1(%arg0: i32) -> (i32, i32) {
    %c0_i32 = arith.constant 0 : i32
    %c0_i32_0 = arith.constant 0 : i32
    return %arg0, %c0_i32 : i32, i32
  }
  func.func @transform_2(%arg0: i32) -> (i32, i32, i32) {
    %c0_i32 = arith.constant 0 : i32
    %c0_i32_0 = arith.constant 0 : i32
    %c0_i32_1 = arith.constant 0 : i32
    return %c0_i32, %arg0, %c0_i32_0 : i32, i32, i32
  }
  func.func @transform_3(%arg0: i32) -> (i32, i32, i32) {
    %c1_i32 = arith.constant 1 : i32
    %c0_i32 = arith.constant 0 : i32
    %c0_i32_0 = arith.constant 0 : i32
    return %c1_i32, %arg0, %c0_i32 : i32, i32, i32
  }
  func.func @transform_4(%arg0: i32) -> (i32, i32, i32) {
    %c0_i32 = arith.constant 0 : i32
    %c0_i32_0 = arith.constant 0 : i32
    %c0_i32_1 = arith.constant 0 : i32
    return %c0_i32, %arg0, %c0_i32_0 : i32, i32, i32
  }
  func.func @transform_5(%arg0: i32) -> (i32, i32, i32) {
    %c1_i32 = arith.constant 1 : i32
    %c0_i32 = arith.constant 0 : i32
    %c0_i32_0 = arith.constant 0 : i32
    return %c1_i32, %arg0, %c0_i32 : i32, i32, i32
  }
  func.func @transform_6(%arg0: i32) -> (i32, i32) {
    %c0_i32 = arith.constant 0 : i32
    %c0_i32_0 = arith.constant 0 : i32
    %c0_i32_1 = arith.constant 0 : i32
    return %c0_i32, %c0_i32_0 : i32, i32
  }
  func.func @transform_7(%arg0: i32) -> (i32, i32) {
    %c0_i32 = arith.constant 0 : i32
    %c0_i32_0 = arith.constant 0 : i32
    %c0_i32_1 = arith.constant 0 : i32
    return %c0_i32, %c0_i32_0 : i32, i32
  }
  func.func @transform_8(%arg0: i32) -> (i32, i32) {
    %c0_i32 = arith.constant 0 : i32
    %c0_i32_0 = arith.constant 0 : i32
    %c0_i32_1 = arith.constant 0 : i32
    return %c0_i32, %c0_i32_0 : i32, i32
  }
  func.func @transform_9(%arg0: i32) -> (i32, i32) {
    %c0_i32 = arith.constant 0 : i32
    %c0_i32_0 = arith.constant 0 : i32
    %c0_i32_1 = arith.constant 0 : i32
    return %c0_i32, %c0_i32_0 : i32, i32
  }
  func.func @transform_10(%arg0: i32) -> (i32, i32) {
    %c0_i32 = arith.constant 0 : i32
    %c0_i32_0 = arith.constant 0 : i32
    %c0_i32_1 = arith.constant 0 : i32
    return %c0_i32, %c0_i32_0 : i32, i32
  }
  func.func @transform_11(%arg0: i32) -> (i32, i32) {
    %c0_i32 = arith.constant 0 : i32
    %c0_i32_0 = arith.constant 0 : i32
    %c0_i32_1 = arith.constant 0 : i32
    return %c0_i32, %c0_i32_0 : i32, i32
  }
  func.func @transform_12(%arg0: i32) -> (i32, i32) {
    %c0_i32 = arith.constant 0 : i32
    %c0_i32_0 = arith.constant 0 : i32
    %c0_i32_1 = arith.constant 0 : i32
    return %c0_i32, %c0_i32_0 : i32, i32
  }
  func.func @transform_13(%arg0: i32) -> (i32, i32) {
    %c0_i32 = arith.constant 0 : i32
    %c0_i32_0 = arith.constant 0 : i32
    return %arg0, %c0_i32 : i32, i32
  }
  func.func @transform_14(%arg0: i32) -> (i32, i32) {
    %c0_i32 = arith.constant 0 : i32
    %c0_i32_0 = arith.constant 0 : i32
    return %arg0, %c0_i32 : i32, i32
  }
}

module attributes {stable_mosaic.version = 14 : i64} {
  func.func @_mp_body(%arg0: i32, %arg1: memref<1000x128xf32, #tpu.memory_space<vmem>>, %arg2: memref<1000x128xf32, #tpu.memory_space<vmem>>, %arg3: memref<1x1000x128xf32, #tpu.memory_space<vmem>>, %arg4: memref<1x1000x128xf32, #tpu.memory_space<vmem>>, %arg5: memref<1x1000x128xf32, #tpu.memory_space<vmem>>, %arg6: memref<1x1000x128xf32, #tpu.memory_space<vmem>>, %arg7: memref<128x256xf32, #tpu.memory_space<vmem>>, %arg8: memref<128x256xf32, #tpu.memory_space<vmem>>, %arg9: memref<128x256xf32, #tpu.memory_space<vmem>>, %arg10: memref<128x256xf32, #tpu.memory_space<vmem>>, %arg11: memref<1x256xf32, #tpu.memory_space<vmem>>, %arg12: memref<1x256xf32, #tpu.memory_space<vmem>>, %arg13: memref<1x256xf32, #tpu.memory_space<vmem>>, %arg14: memref<1000x256xf32, #tpu.memory_space<vmem>>) attributes {dimension_semantics = [#tpu.dimension_semantics<arbitrary>], iteration_bounds = array<i64: 10>, scalar_prefetch = 0 : i64, scratch_operands = 0 : i64, tpu.core_type = #tpu.core_type<tc>, window_params = [{transform_indices = @transform_0, window_bounds = array<i64: 1000, 128>}, {transform_indices = @transform_1, window_bounds = array<i64: 1000, 128>}, {transform_indices = @transform_2, window_bounds = array<i64: 1, 1000, 128>}, {transform_indices = @transform_3, window_bounds = array<i64: 1, 1000, 128>}, {transform_indices = @transform_4, window_bounds = array<i64: 1, 1000, 128>}, {transform_indices = @transform_5, window_bounds = array<i64: 1, 1000, 128>}, {pipeline_mode = #tpu.pipeline_mode<synchronous>, transform_indices = @transform_6, window_bounds = array<i64: 128, 256>}, {pipeline_mode = #tpu.pipeline_mode<synchronous>, transform_indices = @transform_7, window_bounds = array<i64: 128, 256>}, {pipeline_mode = #tpu.pipeline_mode<synchronous>, transform_indices = @transform_8, window_bounds = array<i64: 128, 256>}, {pipeline_mode = #tpu.pipeline_mode<synchronous>, transform_indices = @transform_9, window_bounds = array<i64: 128, 256>}, {pipeline_mode = #tpu.pipeline_mode<synchronous>, transform_indices = @transform_10, window_bounds = array<i64: 1, 256>}, {pipeline_mode = #tpu.pipeline_mode<synchronous>, transform_indices = @transform_11, window_bounds = array<i64: 1, 256>}, {pipeline_mode = #tpu.pipeline_mode<synchronous>, transform_indices = @transform_12, window_bounds = array<i64: 1, 256>}, {transform_indices = @transform_13, window_bounds = array<i64: 1000, 256>}]} {
    %get3A = arith.constant 0 : index
    %get3A_0 = arith.constant 0 : index
    %get3A_1 = vector.load %arg1[%get3A, %get3A_0] : memref<1000x128xf32, #tpu.memory_space<vmem>>, vector<1000x128xf32>
    %get3A_2 = arith.constant 0 : index
    %get3A_3 = arith.constant 0 : index
    %get3A_4 = vector.load %arg2[%get3A_2, %get3A_3] : memref<1000x128xf32, #tpu.memory_space<vmem>>, vector<1000x128xf32>
    %get3A_5 = arith.constant 0 : index
    %get3A_6 = arith.constant 0 : index
    %get3A_7 = arith.constant 0 : index
    %get3A_8 = vector.load %arg5[%get3A_5, %get3A_6, %get3A_7] : memref<1x1000x128xf32, #tpu.memory_space<vmem>>, vector<1x1000x128xf32>
    %get3A_9 = vector.shape_cast %get3A_8 : vector<1x1000x128xf32> to vector<1000x128xf32>
    %slice3A = vector.extract_strided_slice %get3A_9 {offsets = [0, 0], sizes = [1000, 1], strides = [1, 1]} : vector<1000x128xf32> to vector<1000x1xf32>
    %get3A_10 = arith.constant 0 : index
    %get3A_11 = arith.constant 0 : index
    %get3A_12 = arith.constant 0 : index
    %get3A_13 = vector.load %arg6[%get3A_10, %get3A_11, %get3A_12] : memref<1x1000x128xf32, #tpu.memory_space<vmem>>, vector<1x1000x128xf32>
    %get3A_14 = vector.shape_cast %get3A_13 : vector<1x1000x128xf32> to vector<1000x128xf32>
    %slice3A_15 = vector.extract_strided_slice %get3A_14 {offsets = [0, 0], sizes = [1000, 1], strides = [1, 1]} : vector<1000x128xf32> to vector<1000x1xf32>
    %add3A = arith.addf %slice3A, %slice3A_15 : vector<1000x1xf32>
    %max3A = arith.constant 1.000000e+00 : f32
    %max3A_16 = vector.broadcast %max3A : f32 to vector<1000x1xf32>
    %max3A_17 = arith.maximumf %add3A, %max3A_16 : vector<1000x1xf32>
    %div3A = arith.constant 1.000000e+00 : f32
    %div3A_18 = vector.broadcast %div3A : f32 to vector<1000x1xf32>
    %div3A_19 = arith.divf %div3A_18, %max3A_17 : vector<1000x1xf32>
    %get3A_20 = arith.constant 0 : index
    %get3A_21 = arith.constant 0 : index
    %get3A_22 = arith.constant 0 : index
    %get3A_23 = vector.load %arg3[%get3A_20, %get3A_21, %get3A_22] : memref<1x1000x128xf32, #tpu.memory_space<vmem>>, vector<1x1000x128xf32>
    %get3A_24 = vector.shape_cast %get3A_23 : vector<1x1000x128xf32> to vector<1000x128xf32>
    %mul3A = vector.broadcast %div3A_19 : vector<1000x1xf32> to vector<1000x128xf32>
    %mul3A_25 = arith.mulf %get3A_24, %mul3A : vector<1000x128xf32>
    %get3A_26 = arith.constant 0 : index
    %get3A_27 = arith.constant 0 : index
    %get3A_28 = arith.constant 0 : index
    %get3A_29 = vector.load %arg4[%get3A_26, %get3A_27, %get3A_28] : memref<1x1000x128xf32, #tpu.memory_space<vmem>>, vector<1x1000x128xf32>
    %get3A_30 = vector.shape_cast %get3A_29 : vector<1x1000x128xf32> to vector<1000x128xf32>
    %mul3A_31 = vector.broadcast %div3A_19 : vector<1000x1xf32> to vector<1000x128xf32>
    %mul3A_32 = arith.mulf %get3A_30, %mul3A_31 : vector<1000x128xf32>
    %get3A_33 = arith.constant 0 : index
    %get3A_34 = arith.constant 0 : index
    %get3A_35 = vector.load %arg7[%get3A_33, %get3A_34] : memref<128x256xf32, #tpu.memory_space<vmem>>, vector<128x256xf32>
    %dot_general3A = arith.constant dense<0.000000e+00> : vector<1000x256xf32>
    %dot_general3A_36 = tpu.matmul %get3A_1, %get3A_35, %dot_general3A {dimension_numbers = #tpu.dot_dimension_numbers<[1], [0], [0], [1], [0, 0, 1, 1], [], []>, transpose_lhs_hint = false} : vector<1000x128xf32>, vector<128x256xf32>, vector<1000x256xf32> -> vector<1000x256xf32>
    %get3A_37 = arith.constant 0 : index
    %get3A_38 = arith.constant 0 : index
    %get3A_39 = vector.load %arg8[%get3A_37, %get3A_38] : memref<128x256xf32, #tpu.memory_space<vmem>>, vector<128x256xf32>
    %dot_general3A_40 = arith.constant dense<0.000000e+00> : vector<1000x256xf32>
    %dot_general3A_41 = tpu.matmul %get3A_4, %get3A_39, %dot_general3A_40 {dimension_numbers = #tpu.dot_dimension_numbers<[1], [0], [0], [1], [0, 0, 1, 1], [], []>, transpose_lhs_hint = false} : vector<1000x128xf32>, vector<128x256xf32>, vector<1000x256xf32> -> vector<1000x256xf32>
    %add3A_42 = arith.addf %dot_general3A_36, %dot_general3A_41 : vector<1000x256xf32>
    %get3A_43 = arith.constant 0 : index
    %get3A_44 = arith.constant 0 : index
    %get3A_45 = vector.load %arg9[%get3A_43, %get3A_44] : memref<128x256xf32, #tpu.memory_space<vmem>>, vector<128x256xf32>
    %dot_general3A_46 = arith.constant dense<0.000000e+00> : vector<1000x256xf32>
    %dot_general3A_47 = tpu.matmul %mul3A_25, %get3A_45, %dot_general3A_46 {dimension_numbers = #tpu.dot_dimension_numbers<[1], [0], [0], [1], [0, 0, 1, 1], [], []>, transpose_lhs_hint = false} : vector<1000x128xf32>, vector<128x256xf32>, vector<1000x256xf32> -> vector<1000x256xf32>
    %add3A_48 = arith.addf %add3A_42, %dot_general3A_47 : vector<1000x256xf32>
    %get3A_49 = arith.constant 0 : index
    %get3A_50 = arith.constant 0 : index
    %get3A_51 = vector.load %arg10[%get3A_49, %get3A_50] : memref<128x256xf32, #tpu.memory_space<vmem>>, vector<128x256xf32>
    %dot_general3A_52 = arith.constant dense<0.000000e+00> : vector<1000x256xf32>
    %dot_general3A_53 = tpu.matmul %mul3A_32, %get3A_51, %dot_general3A_52 {dimension_numbers = #tpu.dot_dimension_numbers<[1], [0], [0], [1], [0, 0, 1, 1], [], []>, transpose_lhs_hint = false} : vector<1000x128xf32>, vector<128x256xf32>, vector<1000x256xf32> -> vector<1000x256xf32>
    %add3A_54 = arith.addf %add3A_48, %dot_general3A_53 : vector<1000x256xf32>
    %get3A_55 = arith.constant 0 : index
    %get3A_56 = arith.constant 0 : index
    %get3A_57 = vector.load %arg11[%get3A_55, %get3A_56] : memref<1x256xf32, #tpu.memory_space<vmem>>, vector<1x256xf32>
    %add3A_58 = vector.broadcast %get3A_57 : vector<1x256xf32> to vector<1000x256xf32>
    %add3A_59 = arith.addf %add3A_54, %add3A_58 : vector<1000x256xf32>
    %concatenate3A = tpu.concatenate %get3A_1, %get3A_4 in 1 : vector<1000x128xf32>, vector<1000x128xf32> -> vector<1000x256xf32>
    %max3A_60 = arith.constant 0.000000e+00 : f32
    %max3A_61 = vector.broadcast %max3A_60 : f32 to vector<1000x256xf32>
    %max3A_62 = arith.maximumf %add3A_59, %max3A_61 : vector<1000x256xf32>
    %add3A_63 = arith.addf %concatenate3A, %max3A_62 : vector<1000x256xf32>
    %reduce_sum3A = arith.constant dense<0.000000e+00> : vector<1000xf32>
    %reduce_sum3A_64 = vector.multi_reduction <add>, %add3A_63, %reduce_sum3A [1] : vector<1000x256xf32> to vector<1000xf32>
    %broadcast_in_dim3A = vector.shape_cast %reduce_sum3A_64 : vector<1000xf32> to vector<1000x1xf32>
    %div3A_65 = arith.constant 2.560000e+02 : f32
    %div3A_66 = vector.broadcast %div3A_65 : f32 to vector<1000x1xf32>
    %div3A_67 = arith.divf %broadcast_in_dim3A, %div3A_66 : vector<1000x1xf32>
    %sub3A = vector.broadcast %div3A_67 : vector<1000x1xf32> to vector<1000x256xf32>
    %sub3A_68 = arith.subf %add3A_63, %sub3A : vector<1000x256xf32>
    %integer_pow3A = arith.mulf %sub3A_68, %sub3A_68 : vector<1000x256xf32>
    %reduce_sum3A_69 = arith.constant dense<0.000000e+00> : vector<1000xf32>
    %reduce_sum3A_70 = vector.multi_reduction <add>, %integer_pow3A, %reduce_sum3A_69 [1] : vector<1000x256xf32> to vector<1000xf32>
    %broadcast_in_dim3A_71 = vector.shape_cast %reduce_sum3A_70 : vector<1000xf32> to vector<1000x1xf32>
    %div3A_72 = arith.constant 2.560000e+02 : f32
    %div3A_73 = vector.broadcast %div3A_72 : f32 to vector<1000x1xf32>
    %div3A_74 = arith.divf %broadcast_in_dim3A_71, %div3A_73 : vector<1000x1xf32>
    %sub3A_75 = vector.broadcast %div3A_67 : vector<1000x1xf32> to vector<1000x256xf32>
    %sub3A_76 = arith.subf %add3A_63, %sub3A_75 : vector<1000x256xf32>
    %add3A_77 = arith.constant 9.99999974E-6 : f32
    %add3A_78 = vector.broadcast %add3A_77 : f32 to vector<1000x1xf32>
    %add3A_79 = arith.addf %div3A_74, %add3A_78 : vector<1000x1xf32>
    %rsqrt3A = math.rsqrt %add3A_79 : vector<1000x1xf32>
    %mul3A_80 = vector.broadcast %rsqrt3A : vector<1000x1xf32> to vector<1000x256xf32>
    %mul3A_81 = arith.mulf %sub3A_76, %mul3A_80 : vector<1000x256xf32>
    %get3A_82 = arith.constant 0 : index
    %get3A_83 = arith.constant 0 : index
    %get3A_84 = vector.load %arg12[%get3A_82, %get3A_83] : memref<1x256xf32, #tpu.memory_space<vmem>>, vector<1x256xf32>
    %mul3A_85 = vector.broadcast %get3A_84 : vector<1x256xf32> to vector<1000x256xf32>
    %mul3A_86 = arith.mulf %mul3A_81, %mul3A_85 : vector<1000x256xf32>
    %get3A_87 = arith.constant 0 : index
    %get3A_88 = arith.constant 0 : index
    %get3A_89 = vector.load %arg13[%get3A_87, %get3A_88] : memref<1x256xf32, #tpu.memory_space<vmem>>, vector<1x256xf32>
    %add3A_90 = vector.broadcast %get3A_89 : vector<1x256xf32> to vector<1000x256xf32>
    %add3A_91 = arith.addf %mul3A_86, %add3A_90 : vector<1000x256xf32>
    %swap3A = arith.constant 0 : index
    %swap3A_92 = arith.constant 0 : index
    %swap3A_93 = vector.load %arg14[%swap3A, %swap3A_92] : memref<1000x256xf32, #tpu.memory_space<vmem>>, vector<1000x256xf32>
    tpu.vector_store %arg14[%swap3A, %swap3A_92], %add3A_91 {strides = array<i32>} : memref<1000x256xf32, #tpu.memory_space<vmem>>, vector<1000x256xf32>,
    return
  }
  func.func @transform_0(%arg0: i32) -> (i32, i32) {
    %c0_i32 = arith.constant 0 : i32
    %c0_i32_0 = arith.constant 0 : i32
    return %arg0, %c0_i32 : i32, i32
  }
  func.func @transform_1(%arg0: i32) -> (i32, i32) {
    %c0_i32 = arith.constant 0 : i32
    %c0_i32_0 = arith.constant 0 : i32
    return %arg0, %c0_i32 : i32, i32
  }
  func.func @transform_2(%arg0: i32) -> (i32, i32, i32) {
    %c0_i32 = arith.constant 0 : i32
    %c0_i32_0 = arith.constant 0 : i32
    %c0_i32_1 = arith.constant 0 : i32
    return %c0_i32, %arg0, %c0_i32_0 : i32, i32, i32
  }
  func.func @transform_3(%arg0: i32) -> (i32, i32, i32) {
    %c1_i32 = arith.constant 1 : i32
    %c0_i32 = arith.constant 0 : i32
    %c0_i32_0 = arith.constant 0 : i32
    return %c1_i32, %arg0, %c0_i32 : i32, i32, i32
  }
  func.func @transform_4(%arg0: i32) -> (i32, i32, i32) {
    %c0_i32 = arith.constant 0 : i32
    %c0_i32_0 = arith.constant 0 : i32
    %c0_i32_1 = arith.constant 0 : i32
    return %c0_i32, %arg0, %c0_i32_0 : i32, i32, i32
  }
  func.func @transform_5(%arg0: i32) -> (i32, i32, i32) {
    %c1_i32 = arith.constant 1 : i32
    %c0_i32 = arith.constant 0 : i32
    %c0_i32_0 = arith.constant 0 : i32
    return %c1_i32, %arg0, %c0_i32 : i32, i32, i32
  }
  func.func @transform_6(%arg0: i32) -> (i32, i32) {
    %c0_i32 = arith.constant 0 : i32
    %c0_i32_0 = arith.constant 0 : i32
    %c0_i32_1 = arith.constant 0 : i32
    return %c0_i32, %c0_i32_0 : i32, i32
  }
  func.func @transform_7(%arg0: i32) -> (i32, i32) {
    %c0_i32 = arith.constant 0 : i32
    %c0_i32_0 = arith.constant 0 : i32
    %c0_i32_1 = arith.constant 0 : i32
    return %c0_i32, %c0_i32_0 : i32, i32
  }
  func.func @transform_8(%arg0: i32) -> (i32, i32) {
    %c0_i32 = arith.constant 0 : i32
    %c0_i32_0 = arith.constant 0 : i32
    %c0_i32_1 = arith.constant 0 : i32
    return %c0_i32, %c0_i32_0 : i32, i32
  }
  func.func @transform_9(%arg0: i32) -> (i32, i32) {
    %c0_i32 = arith.constant 0 : i32
    %c0_i32_0 = arith.constant 0 : i32
    %c0_i32_1 = arith.constant 0 : i32
    return %c0_i32, %c0_i32_0 : i32, i32
  }
  func.func @transform_10(%arg0: i32) -> (i32, i32) {
    %c0_i32 = arith.constant 0 : i32
    %c0_i32_0 = arith.constant 0 : i32
    %c0_i32_1 = arith.constant 0 : i32
    return %c0_i32, %c0_i32_0 : i32, i32
  }
  func.func @transform_11(%arg0: i32) -> (i32, i32) {
    %c0_i32 = arith.constant 0 : i32
    %c0_i32_0 = arith.constant 0 : i32
    %c0_i32_1 = arith.constant 0 : i32
    return %c0_i32, %c0_i32_0 : i32, i32
  }
  func.func @transform_12(%arg0: i32) -> (i32, i32) {
    %c0_i32 = arith.constant 0 : i32
    %c0_i32_0 = arith.constant 0 : i32
    %c0_i32_1 = arith.constant 0 : i32
    return %c0_i32, %c0_i32_0 : i32, i32
  }
  func.func @transform_13(%arg0: i32) -> (i32, i32) {
    %c0_i32 = arith.constant 0 : i32
    %c0_i32_0 = arith.constant 0 : i32
    return %arg0, %c0_i32 : i32, i32
  }
}

</mosaic_0001>

<sc_bundles>
// kernel: kernel.11.cloned.1.call-start
scs
__scs_entry_jumppad:
0x0: {  	(pc) =	sbr.rel $0x88, $3  }
0x1: {  	(tag) =	ssettag $0x0;
	lr =	simm.s32 $0x1  }
0x2: {  	[smem:$0x3F8C] =	sst lr;
	_ =	strace $0xD0000000  }
0x3: {  	_ = 	snop  }
0x4: {  	_ = 	snop  }
0x5: {  	_ = 	snop  }
0x6: {  	_ = 	snop  }
0x7: {  	_ = 	snop  }
__scs_overlays_trampoline_lowered:
0x8: {  	[smem:$0x3F9B] =	sst s0  }
0x9: {  	[smem:$0x3F9C] =	sst s1  }
0xa: {  	[smem:$0x3F9D] =	sst s2  }
0xb: {  	[smem:$0x3F9E] =	sst s3  }
0xc: {  	[smem:$0x3F9F] =	sst s4  }
0xd: {  	[smem:$0x3FA0] =	sst s5  }
0xe: {  	[smem:$0x3FA1] =	sst s6  }
0xf: {  	[smem:$0x3FA2] =	sst s7  }
0x10: {  	[smem:$0x3FA3] =	sst s8  }
0x11: {  	[smem:$0x3FA4] =	sst s9;
	s0 =	simm.s32 @!p0 $0x0  }
0x12: {  	s1 =	sld [smem:$0x3F8A];
	s0 =	simm.s32 @p0 $0x1  }
0x13: {  	[smem:$0x3FA5] =	sst s0;
	s0 =	simm.s32 @!p1 $0x0  }
0x14: {  	s2 =	sld [smem:$0x3F89];
	s0 =	simm.s32 @p1 $0x1  }
0x15: {  	[smem:$0x3FA6] =	sst s0;
	s0 =	simm.s32 @!p2 $0x0  }
0x16: {  	s3 =	sld [smem:$0x3FDB];
	s0 =	simm.s32 @p2 $0x1  }
0x17: {  	s4 =	simm.s32 $0x1BF5;
	[smem:$0x3FA8] =	sst s0  }
0x18: {  	s0 =	sld [smem:$0x3F8B];
	_ =	swait.ge [sflag:s4], $0x0  }
0x19: {  	s7 =	sld [smem:$0x3F8C]  }
0x1a: {  	s8 =	sadd.s32 $0xFFFFE003, lr  }
0x1b: {  	s9 =	sadd.s32 $0xFFFFFEF7, lr;
	s5 =	simm.s32 $0xFFFFFFFF;
	p2 =	slt.u32 s8, $0xFFFFF086  }
0x1c: {  	p1 =	slt.u32 s9, $0xF7A;
	s5 =	simm.s32 @!p2 $0x0  }
0x1d: {  	s5 =	simm.s32 @p1 $0x1;
	p0 =	seq.s32 s7, s2  }
0x1e: {  	s7 =	smul.u32 @!p0 $0xF7A, s2;
	p2 =	seq.s32 @!p0 s5, $0x0  }
0x1f: {  	s9 =	smul.u32 $0xF7A, s1;
	s8 =	simm.s32 @!p0 $0x1BF5;
	p2 =	por !p2, p0  }
0x20: {  	[sflag:s8] =	ssyncset.s32 @!p0 $0xFFFFF086;
	s6 =	sadd.s32 @!p0 s3, s7;
	s7 =	simm.s32 @!p0 $0x108  }
0x21: {  	s3 =	sadd.s32 s3, s9;
	s6 =	sadd.s32 @!p0 $0x88, s6;
	s7 =	simm.s32 @p2 $0x1082  }
0x22: {  	[simem:s7], [sflag:s8] =	dma.local @!p0 [hbm:s6], $0xF7A  }
0x23: {  	s9 =	sor.u32 $0xD0000000, s2;
	s6 =	simm.s32 $0x108;
	_ =	swait.ge @!p0 [sflag:s8], $0x0  }
0x24: {  	s3 =	sadd.s32 $0x88, s3;
	s6 =	simm.s32 @!p1 $0x1082;
	[sflag:s4] =	ssyncset.s32 $0xFFFFF086  }
0x25: {  	[simem:s6], [sflag:s4] =	dma.local [hbm:s3], $0xF7A  }
0x26: {  	[smem:$0x3F8C] =	sst s1;
	(tag) =	ssettag s2;
	_ =	strace s9  }
0x27: {  	s1 =	sld [smem:$0x3F9C]  }
0x28: {  	s2 =	sld [smem:$0x3F9D]  }
0x29: {  	s4 =	sld [smem:$0x3F9F]  }
0x2a: {  	p0 =	seq.s32 s5, $0x0;
	s5 =	sld [smem:$0x3FA0]  }
0x2b: {  	s6 =	sld [smem:$0x3FA1]  }
0x2c: {  	s7 =	sld [smem:$0x3FA2]  }
0x2d: {  	s3 =	simm.s32 $0x108;
	s8 =	sld [smem:$0x3FA3]  }
0x2e: {  	s3 =	simm.s32 @!p0 $0x1082;
	s9 =	sld [smem:$0x3FA4]  }
0x2f: {  	lr =	sadd.s32 s0, s3;
	s0 =	sld [smem:$0x3F9B]  }
0x30: {  	s3 =	sld [smem:$0x3F9E]  }
0x31: {  	[smem:$0x3FA7] =	sst s10  }
0x32: {  	s10 =	sld [smem:$0x3FA5];
	_ =	sdelay $0x3  }
0x33: {  	p0 =	seq.s32 s10, $0x1;
	s10 =	sld [smem:$0x3FA7];
	_ =	sdelay $0x3  }
0x34: {  	[smem:$0x3FA7] =	sst s10  }
0x35: {  	s10 =	sld [smem:$0x3FA6];
	_ =	sdelay $0x3  }
0x36: {  	p1 =	seq.s32 s10, $0x1;
	s10 =	sld [smem:$0x3FA7];
	_ =	sdelay $0x3  }
0x37: {  	[smem:$0x3FA7] =	sst s10  }
0x38: {  	s10 =	sld [smem:$0x3FA8]  }
0x39: {  	_ = 	snop;
	(pc) =	sbr.ind lr, $3  }
0x3a: {  	_ = 	snop  }
0x3b: {  	_ = 	snop  }
0x3c: {  	p2 =	seq.s32 s10, $0x1;
	s10 =	sld [smem:$0x3FA7]  }
0x3d: {  	_ =	shalt  }
0x3e: {  	_ =	shalt  }
0x3f: {  	_ =	shalt  }
0x40: {  	_ =	shalt  }
0x41: {  	_ =	shalt  }
0x42: {  	_ =	shalt  }
0x43: {  	_ =	shalt  }
0x44: {  	_ =	shalt  }
0x45: {  	_ =	shalt  }
0x46: {  	_ =	shalt  }
0x47: {  	_ =	shalt  }
0x48: {  	_ =	shalt  }
0x49: {  	_ =	shalt  }
0x4a: {  	_ =	shalt  }
0x4b: {  	_ =	shalt  }
0x4c: {  	_ =	shalt  }
0x4d: {  	_ =	shalt  }
0x4e: {  	_ =	shalt  }
0x4f: {  	_ =	shalt  }
0x50: {  	_ =	shalt  }
0x51: {  	_ =	shalt  }
0x52: {  	_ =	shalt  }
0x53: {  	_ =	shalt  }
0x54: {  	_ =	shalt  }
0x55: {  	_ =	shalt  }
0x56: {  	_ =	shalt  }
0x57: {  	_ =	shalt  }
0x58: {  	_ =	shalt  }
0x59: {  	_ =	shalt  }
0x5a: {  	_ =	shalt  }
0x5b: {  	_ =	shalt  }
0x5c: {  	_ =	shalt  }
0x5d: {  	_ =	shalt  }
0x5e: {  	_ =	shalt  }
0x5f: {  	_ =	shalt  }
0x60: {  	_ =	shalt  }
0x61: {  	_ =	shalt  }
0x62: {  	_ =	shalt  }
0x63: {  	_ =	shalt  }
0x64: {  	_ =	shalt  }
0x65: {  	_ =	shalt  }
0x66: {  	_ =	shalt  }
0x67: {  	_ =	shalt  }
0x68: {  	_ =	shalt  }
0x69: {  	_ =	shalt  }
0x6a: {  	_ =	shalt  }
0x6b: {  	_ =	shalt  }
0x6c: {  	_ =	shalt  }
0x6d: {  	_ =	shalt  }
0x6e: {  	_ =	shalt  }
0x6f: {  	_ =	shalt  }
0x70: {  	_ =	shalt  }
0x71: {  	_ =	shalt  }
0x72: {  	_ =	shalt  }
0x73: {  	_ =	shalt  }
0x74: {  	_ =	shalt  }
0x75: {  	_ =	shalt  }
0x76: {  	_ =	shalt  }
0x77: {  	_ =	shalt  }
0x78: {  	_ =	shalt  }
0x79: {  	_ =	shalt  }
0x7a: {  	_ =	shalt  }
0x7b: {  	_ =	shalt  }
0x7c: {  	_ =	shalt  }
0x7d: {  	_ =	shalt  }
0x7e: {  	_ =	shalt  }
0x7f: {  	_ =	shalt  }
0x80: {  	_ =	shalt  }
0x81: {  	_ =	shalt  }
0x82: {  	_ =	shalt  }
0x83: {  	_ =	shalt  }
0x84: {  	_ =	shalt  }
0x85: {  	_ =	shalt  }
0x86: {  	_ =	shalt  }
0x87: {  	_ =	shalt  }
.Lfunc_end0:
.L_simem_size_0:
called_computation.1_lowered:
.L_overlay_start_0:
0x88: {  	s2 =	sld [smem:$0x3FD9]  }
0x89: {  	s3 =	sld [smem:$0x3FFE];
	_ =	sdelay $0x1  }
0x8a: {  	s1 =	srdreg.scid  }
0x8b: {  	s0 =	sand.u32 $0x1, s1  }
0x8c: {  	s17 =	sshll.u32 s0, $0xA;
	s2 =	sadd.s32 s3, s2  }
0x8d: {  	s2 =	sadd.s32 s2, s17  }
0x8e: {  	[smem:$0x3FB3] =	sst s2  }
0x8f: {  	_ = 	snop  }
0x90: {  	s2 =	sld [smem:$0x3FD0];
	(tm) =	ssettm $0x1  }
0x91: {  	s18 =	sld [smem:$0x3FFB];
	_ =	sdelay $0x3  }
0x92: {  	_ =	strace s18  }
0x93: {  	s3 =	sld [smem:$0x3FFC];
	_ =	sdelay $0x3  }
0x94: {  	_ =	strace s3  }
0x95: {  	s3 =	sld [smem:$0x3FFD];
	_ =	sdelay $0x3  }
0x96: {  	_ =	strace s3  }
0x97: {  	_ =	strace $0x8FFFFFFF  }
0x98: {  	s19 =	sld [smem:$0x3FDB];
	_ =	sdelay $0x1  }
0x99: {  	s4 =	simm.s32 $_scs_section_size  }
0x9a: {  	s5 =	simm.s32 $_size__tile_overlayer_lowered;
	s6 =	simm.s32 $_tile_overlayer_lowered  }
0x9b: {  	s22 =	simm.s32 $0x1BFF;
	s21 =	sshll.u32 s6, $0x1;
	s3 =	sadd.s32 s4, s19  }
0x9c: {  	s7 =	simm.s32 $0x0;
	s20 =	sshll.u32 s5, $0x1;
	s5 =	sadd.s32 s21, s3  }
0x9d: {  	[timem:s7], [sflag:s22] =	dma.local [hbm:s5], s20  }
0x9e: {  	_ =	swait.ge [sflag:s22], s20  }
0x9f: {  	s4 =	ssub.s32 $0x0, s20;
	[sflag:s22] =	ssyncset.done $0x0  }
0xa0: {  	[sflag:s22] =	ssyncadd.s32 s4;
	_ =	sdelay $0x1  }
0xa1: {  	s23 =	simm.s32 $0x1B8B  }
0xa2: {  	_ =	swait.ge [sflag:s23], $0x1  }
0xa3: {  	[sflag:s23] =	ssyncset.done $0x0  }
0xa4: {  	s25 =	simm.s32 $0x1B8E;
	s24 =	sld [smem:$0x3FFE];
	[sflag:s23] =	ssyncadd.s32 $0xFFFFFFFF  }
0xa5: {  	s26 =	simm.s32 $execute0_lowered;
	[smem:$0x3FD2] =	sst s25  }
0xa6: {  	s5 =	sshll.u32 s26, $0x1;
	_ =	strace $0x80000046;
	[dreg:$0x1] =	wrdreg $0xFFFFFFFF  }
0xa7: {  	s28 =	simm.s32 $_size_execute0_lowered;
	s3 =	sadd.s32 s3, s5;
	[dreg:$0x0] =	wrdreg $0x0  }
0xa8: {  	s5 =	sshll.u32 s28, $0x1;
	[dreg:$0x2] =	wrdreg s3  }
0xa9: {  	[dreg:$0x3] =	wrdreg s5  }
0xaa: {  	[dreg:$0x4] =	wrdreg $0xC0  }
0xab: {  	_ =	task [dreg:s7], $0x5FFFF  }
0xac: {  	[dreg:$0x1] =	wrdreg $0xFFFFFFFF  }
0xad: {  	[dreg:$0x0] =	wrdreg $0x60  }
0xae: {  	[dreg:$0x2] =	wrdreg s2  }
0xaf: {  	[dreg:$0x3] =	wrdreg s24  }
0xb0: {  	[dreg:$0x4] =	wrdreg $0xA9000  }
0xb1: {  	[dreg:$0x5] =	wrdreg $0xA  }
0xb2: {  	_ =	task.clear_ibuf [dreg:s7], $0x6FFFF;
	_ =	strace $0x90000046  }
0xb3: {  	s29 =	simm.s32 $0xA;
	_ =	strace $0x80000048  }
0xb4: {  	_ =	swait.ge [sflag:s29], $0x1  }
0xb5: {  	[sflag:s29] =	ssyncadd.s32 $0xFFFFFFFF  }
0xb6: {  	_ =	strace $0x90000048  }
0xb7: {  	_ =	sfence  }
0xb8: {  	s30 =	sld [smem:$0x0];
	_ =	sdelay $0x2  }
0xb9: {  	s31 =	sshll.u32 s1, $0xD;
	s1 =	sshrl.u32 s1, $0x2  }
0xba: {  	s3 =	sand.u32 $0x4000, s31;
	s1 =	sadd.s32 s1, s30  }
0xbb: {  	s0 =	sor.u32 s3, s0;
	s1 =	sshll.u32 s1, $0x11  }
0xbc: {  	s0 =	sor.u32 s1, s0  }
0xbd: {  	s0 =	sadd.s32 $0x8F2B, s0  }
0xbe: {  	[sflag:s0] =	ssyncadd.remote.s32 $0x1  }
0xbf: {  	_ =	sfence.sel $0xFFFF  }
0xc0: {  	[dreg:$0x0] =	wrdreg $0xFFFFFFFF;
	(pc) =	sbr.abs _section_cstart, $3  }
0xc1: {  	[dreg:$0x1] =	wrdreg $0xFFFFFFFF  }
0xc2: {  	_ =	task.clear_ibuf [dreg:s7], $0x2FFFF;
	_ =	strace $0x9FFFFFFF  }
0xc3: {  	(tm) =	ssettm $0x7FFFFFFF  }
tec
execute0_lowered:
.L_overlay_start_1:
0x0: {  	(tag) =	ssettag $0x1  }
0x1: {  	s1 =	rddreg [dreg:$0x0]  }
0x2: {  	s6 =	rddreg [dreg:$0x1]  }
0x3: {  	s0 =	srdreg.scid;
	s3 =	rddreg [dreg:$0x2];
	s4 =	simm.s32 $0x0  }
0x4: {  	s16 =	simm.s32 $0x2900;
	s17 =	simm.s32 $0x2880;
	s18 =	simm.s32 $0x6900  }
0x5: {  	s19 =	simm.s32 $0x3;
	s5 =	sand.u32 $0x1, s0;
	s0 =	stileid.u32  }
0x6: {  	s20 =	simm.s32 $0x1;
	s21 =	simm.s32 $0x4;
	s8 =	smul.u32 $0x500, s0  }
0x7: {  	s22 =	simm.s32 $0x2;
	s23 =	simm.s32 $0x0;
	s9 =	smul.u32 $0x2780, s0  }
0x8: {  	[smem:$0x7FF] =	sst s4;
	s2 =	sshll.u32 s5, $0x4;
	s10 =	smul.u32 $0x27800, s5  }
0x9: {  	s5 =	ssub.s32 $0x2, s5;
	s28 =	smul.u32 $0x4F000, s0;
	s2 =	sor.u32 s0, s2  }
0xa: {  	s31 =	sshll.u32 s0, $0x6;
	s29 =	sshrl.u32 s5, $0x1;
	s7 =	smul.u32 $0x500, s2  }
0xb: {  	s2 =	rddreg [dreg:$0x3];
	_ =	strace $0x80000047;
	s11 =	sadd.s32 s8, s6  }
0xc: {  	s12 =	sadd.s32 s9, s6;
	s9 =	sadd.s32 s9, s10;
	s30 =	sshrl.u32 s28, $0x2  }
0xd: {  	s14 =	ssub.s32 s5, s29;
	s13 =	sadd.s32 s9, s6;
	s15 =	sadd.s32 s30, s3  }
0xe: {  	s5 =	sadd.s32 $0x3A200, s12;
	s8 =	sadd.s32 $0x4000, s11;
	s9 =	sadd.s32 $0x4010, s11  }
0xf: {  	s11 =	smax.u32 s14, $0x1;
	s14 =	simm.s32 $0x2800;
	s7 =	sadd.s32 s7, s6  }
0x10: {  	s6 =	sor.u32 $0x1C05, s31;
	s10 =	sadd.s32 $0x61A00, s13;
	s12 =	sshrl.u32 s15, $0x3  }
0x11: {  	s13 =	simm.s32 $0x5;
	s15 =	simm.s32 $0x80;
	s7 =	sadd.s32 $0x9000, s7  }
.LBB2_1:
0x12: {  	[spmem:s12], [sflag:s6] =	dma.local [hbm:s5], $0x2780  }
0x13: {  	_ =	swait.ge [sflag:s13], $0x2780  }
0x14: {  	[sflag:s13] =	ssyncset.done $0x0  }
0x15: {  	[sflag:s13] =	ssyncadd.s32 $0xFFFFD880  }
0x16: {  	[tilespmem:s4], [sflag:$0x5] =	stream.linear.gather [hbm4b:s7+s4], $0x2800, $0x38;
	[tilespmem:$0x1E500] =	vst v63  }
0x17: {  	_ =	swait.ge [sflag:s13], $0x2800  }
0x18: {  	[sflag:s13] =	ssyncset.done $0x0  }
0x19: {  	[sflag:s13] =	ssyncadd.s32 $0xFFFFD800  }
0x1a: {  	[bflag:$0x0] =	sbarrier.arrive $0xFFFF  }
0x1b: {  	[tilespmem:s14], [sflag:$0x3] =	stream.linear.gather [hbm4b:s8+s4], $0x80, $0x38;
	[tilespmem:$0x1E500] =	vst v63  }
0x1c: {  	_ = 	snop  }
0x1d: {  	[tilespmem:s16], [sflag:$0x1] =	stream.indirect.gather [hbm4b:s1+s15], $0x80, s4, s15, $0xb8;
	[tilespmem:$0x1E500] =	vst v63  }
0x1e: {  	_ = 	snop  }
0x1f: {  	[tilespmem:s17], [sflag:$0x4] =	stream.linear.gather [hbm4b:s9+s4], $0x80, $0x38;
	[tilespmem:$0x1E500] =	vst v63  }
0x20: {  	_ = 	snop  }
0x21: {  	[tilespmem:s18], [sflag:$0x2] =	stream.indirect.gather [hbm4b:s1+s15], $0x80, s15, s15, $0xb8;
	[tilespmem:$0x1E500] =	vst v63  }
0x22: {  	_ =	swait.ge [sflag:s19], $0x80  }
0x23: {  	[sflag:s19] =	ssyncset.done $0x0  }
0x24: {  	[sflag:s19] =	ssyncadd.s32 $0xFFFFFF80  }
0x25: {  	_ =	swait.ge [sflag:s20], $0x4000  }
0x26: {  	[sflag:s20] =	ssyncset.done $0x0  }
0x27: {  	[sflag:s20] =	ssyncadd.s32 $0xFFFFC000  }
0x28: {  	[spmem:s3] =	stream.indirect.scatter.add.f32 [tilespmem:s16], [sflag:$0x5], $0x80, s14, s15, $0xb8;
	[tilespmem:$0x1E500] =	vst v63  }
0x29: {  	_ =	swait.ge [sflag:s13], $0x4000  }
0x2a: {  	s24 =	sadd.s32 $0xFFFFFB20, s8;
	[sflag:s13] =	ssyncset.done $0x0  }
0x2b: {  	s25 =	sadd.s32 $0x500, s24;
	[sflag:s13] =	ssyncadd.s32 $0xFFFFC000  }
0x2c: {  	[tilespmem:s14], [sflag:$0x3] =	stream.linear.gather [hbm4b:s25+s4], $0x80, $0x38;
	[tilespmem:$0x1E500] =	vst v63  }
0x2d: {  	s31 =	simm.s32 $0x100  }
0x2e: {  	[tilespmem:s16], [sflag:$0x1] =	stream.indirect.gather [hbm4b:s1+s15], $0x80, s31, s15, $0xb8;
	[tilespmem:$0x1E500] =	vst v63  }
0x2f: {  	_ =	swait.ge [sflag:s21], $0x80  }
0x30: {  	[sflag:s21] =	ssyncset.done $0x0  }
0x31: {  	[sflag:s21] =	ssyncadd.s32 $0xFFFFFF80  }
0x32: {  	_ =	swait.ge [sflag:s22], $0x4000  }
0x33: {  	[sflag:s22] =	ssyncset.done $0x0  }
0x34: {  	[sflag:s22] =	ssyncadd.s32 $0xFFFFC000  }
0x35: {  	[spmem:s3] =	stream.indirect.scatter.add.f32 [tilespmem:s18], [sflag:$0x5], $0x80, s17, s15, $0xb8;
	[tilespmem:$0x1E500] =	vst v63  }
0x36: {  	_ =	swait.ge [sflag:s13], $0x4000  }
0x37: {  	[sflag:s13] =	ssyncset.done $0x0  }
0x38: {  	s24 =	sadd.s32 $0x510, s24;
	[sflag:s13] =	ssyncadd.s32 $0xFFFFC000  }
0x39: {  	[tilespmem:s17], [sflag:$0x4] =	stream.linear.gather [hbm4b:s24+s4], $0x80, $0x38;
	[tilespmem:$0x1E500] =	vst v63  }
0x3a: {  	s26 =	simm.s32 $0x180;
	s25 =	simm.s32 $0x200;
	s24 =	simm.s32 $0xFFFFFB40  }
.LBB2_2:
0x3b: {  	[tilespmem:s18], [sflag:$0x2] =	stream.indirect.gather [hbm4b:s1+s15], $0x80, s26, s15, $0xb8;
	[tilespmem:$0x1E500] =	vst v63  }
0x3c: {  	s26 =	smov.u32 s24  }
0x3d: {  	p0 =	sne.s32 s24, $0xFFFFFFE0;
	s24 =	sadd.s32 $0x20, s24;
	_ =	swait.ge [sflag:s19], $0x80  }
0x3e: {  	[sflag:s19] =	ssyncset.done $0x0  }
0x3f: {  	[sflag:s19] =	ssyncadd.s32 $0xFFFFFF80  }
0x40: {  	_ =	swait.ge [sflag:s20], $0x4000  }
0x41: {  	[sflag:s20] =	ssyncset.done $0x0  }
0x42: {  	[sflag:s20] =	ssyncadd.s32 $0xFFFFC000  }
0x43: {  	[spmem:s3] =	stream.indirect.scatter.add.f32 [tilespmem:s16], [sflag:$0x5], $0x80, s14, s15, $0xb8;
	[tilespmem:$0x1E500] =	vst v63  }
0x44: {  	_ =	swait.ge [sflag:s13], $0x4000  }
0x45: {  	s26 =	sadd.s32 s26, s8;
	[sflag:s13] =	ssyncset.done $0x0  }
0x46: {  	s28 =	sadd.s32 $0x500, s26;
	[sflag:s13] =	ssyncadd.s32 $0xFFFFC000  }
0x47: {  	[tilespmem:s14], [sflag:$0x3] =	stream.linear.gather [hbm4b:s28+s4], $0x80, $0x38;
	[tilespmem:$0x1E500] =	vst v63  }
0x48: {  	_ = 	snop  }
0x49: {  	[tilespmem:s16], [sflag:$0x1] =	stream.indirect.gather [hbm4b:s1+s15], $0x80, s25, s15, $0xb8;
	[tilespmem:$0x1E500] =	vst v63  }
0x4a: {  	_ =	swait.ge [sflag:s21], $0x80  }
0x4b: {  	[sflag:s21] =	ssyncset.done $0x0  }
0x4c: {  	[sflag:s21] =	ssyncadd.s32 $0xFFFFFF80  }
0x4d: {  	_ =	swait.ge [sflag:s22], $0x4000  }
0x4e: {  	[sflag:s22] =	ssyncset.done $0x0  }
0x4f: {  	[sflag:s22] =	ssyncadd.s32 $0xFFFFC000  }
0x50: {  	[spmem:s3] =	stream.indirect.scatter.add.f32 [tilespmem:s18], [sflag:$0x5], $0x80, s17, s15, $0xb8;
	[tilespmem:$0x1E500] =	vst v63  }
.Ltmp0:
0x51: {  	_ =	swait.ge [sflag:s13], $0x4000;
	(pc) =	sbr.rel @p0 .LBB2_2-.Ltmp0, $4  }
0x52: {  	[sflag:s13] =	ssyncset.done $0x0  }
0x53: {  	s26 =	sadd.s32 $0x510, s26;
	[sflag:s13] =	ssyncadd.s32 $0xFFFFC000  }
0x54: {  	[tilespmem:s17], [sflag:$0x4] =	stream.linear.gather [hbm4b:s26+s4], $0x80, $0x38;
	[tilespmem:$0x1E500] =	vst v63  }
0x55: {  	s26 =	sadd.s32 $0x80, s25;
	s25 =	sadd.s32 $0x100, s25  }
0x56: {  	[tilespmem:s18], [sflag:$0x2] =	stream.indirect.gather [hbm4b:s1+s15], $0x80, s26, s15, $0xb8;
	[tilespmem:$0x1E500] =	vst v63  }
0x57: {  	_ =	swait.ge [sflag:s19], $0x80  }
0x58: {  	[sflag:s19] =	ssyncset.done $0x0  }
0x59: {  	[sflag:s19] =	ssyncadd.s32 $0xFFFFFF80  }
0x5a: {  	_ =	swait.ge [sflag:s20], $0x4000  }
0x5b: {  	[sflag:s20] =	ssyncset.done $0x0  }
0x5c: {  	[sflag:s20] =	ssyncadd.s32 $0xFFFFC000  }
0x5d: {  	[spmem:s3] =	stream.indirect.scatter.add.f32 [tilespmem:s16], [sflag:$0x5], $0x80, s14, s15, $0xb8;
	[tilespmem:$0x1E500] =	vst v63  }
0x5e: {  	_ =	swait.ge [sflag:s13], $0x4000  }
0x5f: {  	[sflag:s13] =	ssyncset.done $0x0  }
0x60: {  	[sflag:s13] =	ssyncadd.s32 $0xFFFFC000  }
0x61: {  	_ =	swait.ge [sflag:s21], $0x80  }
0x62: {  	[sflag:s21] =	ssyncset.done $0x0  }
0x63: {  	[sflag:s21] =	ssyncadd.s32 $0xFFFFFF80  }
0x64: {  	_ =	swait.ge [sflag:s22], $0x4000  }
0x65: {  	[sflag:s22] =	ssyncset.done $0x0  }
0x66: {  	[sflag:s22] =	ssyncadd.s32 $0xFFFFC000  }
0x67: {  	[spmem:s3] =	stream.indirect.scatter.add.f32 [tilespmem:s18], [sflag:$0x5], $0x80, s17, s15, $0xb8;
	[tilespmem:$0x1E500] =	vst v63  }
0x68: {  	_ =	swait.ge [sflag:s13], $0x4000  }
0x69: {  	s23 =	sadd.s32 $0x1, s23;
	[sflag:s13] =	ssyncset.done $0x0  }
0x6a: {  	p0 =	sne.s32 s23, s11;
	[sflag:s13] =	ssyncadd.s32 $0xFFFFC000  }
.Ltmp1:
0x6b: {  	[bflag:$0x0] =	sbarrier.arrive $0xFFFF;
	(pc) =	sbr.rel @p0 .LBB2_1-.Ltmp1, $4  }
0x6c: {  	[hbm:s10], [sflag:s6] =	dma.local [spmem:s12], $0x2780  }
0x6d: {  	_ =	swait.ge [sflag:s13], $0x2780  }
0x6e: {  	[sflag:s13] =	ssyncset.done $0x0  }
0x6f: {  	[sflag:s13] =	ssyncadd.s32 $0xFFFFD880  }
0x70: {  	_ =	sfence.sel $0x180000  }
0x71: {  	[bflag:$0x0] =	sbarrier.arrive $0xFFFF  }
0x72: {  	p0 =	sne.s32 s0, $0x0;
	_ =	strace $0x90000047  }
0x73: {  	s0 =	sadd.s32 @!p0 $0x100000, s2;
	[bflag:$0x2] =	sbarrier.arrive $0xFFFF  }
0x74: {  	[sflag:s0] =	ssyncadd.tile.s32 @!p0 $0x1;
	_ =	shalt  }
.Lfunc_end2:
_tile_overlayer_lowered:
.L_overlay_start_2:
0x75: {  	(tag) =	ssettag $0x2  }
0x76: {  	s0 =	rddreg [dreg:$0x0];
	s2 =	stileid.u32  }
0x77: {  	s1 =	rddreg [dreg:$0x1];
	p0 =	sne.s32 s2, $0x0  }
0x78: {  	s3 =	rddreg [dreg:$0x2];
	[bflag:$0x3] =	sbarrier.arrive $0xFFFF;
	s2 =	simm.s32 @!p0 $0x1C05  }
0x79: {  	[timem:s3], [sflag:s2] =	dma.local @!p0 [hbm:s0], s1  }
0x7a: {  	s0 =	simm.s32 @!p0 $0x5  }
0x7b: {  	_ =	swait.ge @!p0 [sflag:s0], s1  }
0x7c: {  	s1 =	ssub.s32 @!p0 $0x0, s1;
	[sflag:s0] =	ssyncset.done @!p0 $0x0  }
0x7d: {  	[sflag:s0] =	ssyncadd.s32 @!p0 s1  }
0x7e: {  	[bflag:$0x3] =	sbarrier.arrive $0xFFFF  }
0x7f: {  	_ =	shalt  }

// kernel: kernel.14.cloned.1.call-start
scs
__scs_entry_jumppad:
0x0: {  	(pc) =	sbr.rel $0x88, $3  }
0x1: {  	(tag) =	ssettag $0x0;
	lr =	simm.s32 $0x1  }
0x2: {  	[smem:$0x3F8C] =	sst lr;
	_ =	strace $0xD0000000  }
0x3: {  	_ = 	snop  }
0x4: {  	_ = 	snop  }
0x5: {  	_ = 	snop  }
0x6: {  	_ = 	snop  }
0x7: {  	_ = 	snop  }
__scs_overlays_trampoline_lowered:
0x8: {  	[smem:$0x3F9B] =	sst s0  }
0x9: {  	[smem:$0x3F9C] =	sst s1  }
0xa: {  	[smem:$0x3F9D] =	sst s2  }
0xb: {  	[smem:$0x3F9E] =	sst s3  }
0xc: {  	[smem:$0x3F9F] =	sst s4  }
0xd: {  	[smem:$0x3FA0] =	sst s5  }
0xe: {  	[smem:$0x3FA1] =	sst s6  }
0xf: {  	[smem:$0x3FA2] =	sst s7  }
0x10: {  	[smem:$0x3FA3] =	sst s8  }
0x11: {  	[smem:$0x3FA4] =	sst s9;
	s0 =	simm.s32 @!p0 $0x0  }
0x12: {  	s1 =	sld [smem:$0x3F8A];
	s0 =	simm.s32 @p0 $0x1  }
0x13: {  	[smem:$0x3FA5] =	sst s0;
	s0 =	simm.s32 @!p1 $0x0  }
0x14: {  	s2 =	sld [smem:$0x3F89];
	s0 =	simm.s32 @p1 $0x1  }
0x15: {  	[smem:$0x3FA6] =	sst s0;
	s0 =	simm.s32 @!p2 $0x0  }
0x16: {  	s3 =	sld [smem:$0x3FDB];
	s0 =	simm.s32 @p2 $0x1  }
0x17: {  	s4 =	simm.s32 $0x1BF5;
	[smem:$0x3FA8] =	sst s0  }
0x18: {  	s0 =	sld [smem:$0x3F8B];
	_ =	swait.ge [sflag:s4], $0x0  }
0x19: {  	s7 =	sld [smem:$0x3F8C]  }
0x1a: {  	s8 =	sadd.s32 $0xFFFFE003, lr  }
0x1b: {  	s9 =	sadd.s32 $0xFFFFFEF7, lr;
	s5 =	simm.s32 $0xFFFFFFFF;
	p2 =	slt.u32 s8, $0xFFFFF086  }
0x1c: {  	p1 =	slt.u32 s9, $0xF7A;
	s5 =	simm.s32 @!p2 $0x0  }
0x1d: {  	s5 =	simm.s32 @p1 $0x1;
	p0 =	seq.s32 s7, s2  }
0x1e: {  	s7 =	smul.u32 @!p0 $0xF7A, s2;
	p2 =	seq.s32 @!p0 s5, $0x0  }
0x1f: {  	s9 =	smul.u32 $0xF7A, s1;
	s8 =	simm.s32 @!p0 $0x1BF5;
	p2 =	por !p2, p0  }
0x20: {  	[sflag:s8] =	ssyncset.s32 @!p0 $0xFFFFF086;
	s6 =	sadd.s32 @!p0 s3, s7;
	s7 =	simm.s32 @!p0 $0x108  }
0x21: {  	s3 =	sadd.s32 s3, s9;
	s6 =	sadd.s32 @!p0 $0x88, s6;
	s7 =	simm.s32 @p2 $0x1082  }
0x22: {  	[simem:s7], [sflag:s8] =	dma.local @!p0 [hbm:s6], $0xF7A  }
0x23: {  	s9 =	sor.u32 $0xD0000000, s2;
	s6 =	simm.s32 $0x108;
	_ =	swait.ge @!p0 [sflag:s8], $0x0  }
0x24: {  	s3 =	sadd.s32 $0x88, s3;
	s6 =	simm.s32 @!p1 $0x1082;
	[sflag:s4] =	ssyncset.s32 $0xFFFFF086  }
0x25: {  	[simem:s6], [sflag:s4] =	dma.local [hbm:s3], $0xF7A  }
0x26: {  	[smem:$0x3F8C] =	sst s1;
	(tag) =	ssettag s2;
	_ =	strace s9  }
0x27: {  	s1 =	sld [smem:$0x3F9C]  }
0x28: {  	s2 =	sld [smem:$0x3F9D]  }
0x29: {  	s4 =	sld [smem:$0x3F9F]  }
0x2a: {  	p0 =	seq.s32 s5, $0x0;
	s5 =	sld [smem:$0x3FA0]  }
0x2b: {  	s6 =	sld [smem:$0x3FA1]  }
0x2c: {  	s7 =	sld [smem:$0x3FA2]  }
0x2d: {  	s3 =	simm.s32 $0x108;
	s8 =	sld [smem:$0x3FA3]  }
0x2e: {  	s3 =	simm.s32 @!p0 $0x1082;
	s9 =	sld [smem:$0x3FA4]  }
0x2f: {  	lr =	sadd.s32 s0, s3;
	s0 =	sld [smem:$0x3F9B]  }
0x30: {  	s3 =	sld [smem:$0x3F9E]  }
0x31: {  	[smem:$0x3FA7] =	sst s10  }
0x32: {  	s10 =	sld [smem:$0x3FA5];
	_ =	sdelay $0x3  }
0x33: {  	p0 =	seq.s32 s10, $0x1;
	s10 =	sld [smem:$0x3FA7];
	_ =	sdelay $0x3  }
0x34: {  	[smem:$0x3FA7] =	sst s10  }
0x35: {  	s10 =	sld [smem:$0x3FA6];
	_ =	sdelay $0x3  }
0x36: {  	p1 =	seq.s32 s10, $0x1;
	s10 =	sld [smem:$0x3FA7];
	_ =	sdelay $0x3  }
0x37: {  	[smem:$0x3FA7] =	sst s10  }
0x38: {  	s10 =	sld [smem:$0x3FA8]  }
0x39: {  	_ = 	snop;
	(pc) =	sbr.ind lr, $3  }
0x3a: {  	_ = 	snop  }
0x3b: {  	_ = 	snop  }
0x3c: {  	p2 =	seq.s32 s10, $0x1;
	s10 =	sld [smem:$0x3FA7]  }
0x3d: {  	_ =	shalt  }
0x3e: {  	_ =	shalt  }
0x3f: {  	_ =	shalt  }
0x40: {  	_ =	shalt  }
0x41: {  	_ =	shalt  }
0x42: {  	_ =	shalt  }
0x43: {  	_ =	shalt  }
0x44: {  	_ =	shalt  }
0x45: {  	_ =	shalt  }
0x46: {  	_ =	shalt  }
0x47: {  	_ =	shalt  }
0x48: {  	_ =	shalt  }
0x49: {  	_ =	shalt  }
0x4a: {  	_ =	shalt  }
0x4b: {  	_ =	shalt  }
0x4c: {  	_ =	shalt  }
0x4d: {  	_ =	shalt  }
0x4e: {  	_ =	shalt  }
0x4f: {  	_ =	shalt  }
0x50: {  	_ =	shalt  }
0x51: {  	_ =	shalt  }
0x52: {  	_ =	shalt  }
0x53: {  	_ =	shalt  }
0x54: {  	_ =	shalt  }
0x55: {  	_ =	shalt  }
0x56: {  	_ =	shalt  }
0x57: {  	_ =	shalt  }
0x58: {  	_ =	shalt  }
0x59: {  	_ =	shalt  }
0x5a: {  	_ =	shalt  }
0x5b: {  	_ =	shalt  }
0x5c: {  	_ =	shalt  }
0x5d: {  	_ =	shalt  }
0x5e: {  	_ =	shalt  }
0x5f: {  	_ =	shalt  }
0x60: {  	_ =	shalt  }
0x61: {  	_ =	shalt  }
0x62: {  	_ =	shalt  }
0x63: {  	_ =	shalt  }
0x64: {  	_ =	shalt  }
0x65: {  	_ =	shalt  }
0x66: {  	_ =	shalt  }
0x67: {  	_ =	shalt  }
0x68: {  	_ =	shalt  }
0x69: {  	_ =	shalt  }
0x6a: {  	_ =	shalt  }
0x6b: {  	_ =	shalt  }
0x6c: {  	_ =	shalt  }
0x6d: {  	_ =	shalt  }
0x6e: {  	_ =	shalt  }
0x6f: {  	_ =	shalt  }
0x70: {  	_ =	shalt  }
0x71: {  	_ =	shalt  }
0x72: {  	_ =	shalt  }
0x73: {  	_ =	shalt  }
0x74: {  	_ =	shalt  }
0x75: {  	_ =	shalt  }
0x76: {  	_ =	shalt  }
0x77: {  	_ =	shalt  }
0x78: {  	_ =	shalt  }
0x79: {  	_ =	shalt  }
0x7a: {  	_ =	shalt  }
0x7b: {  	_ =	shalt  }
0x7c: {  	_ =	shalt  }
0x7d: {  	_ =	shalt  }
0x7e: {  	_ =	shalt  }
0x7f: {  	_ =	shalt  }
0x80: {  	_ =	shalt  }
0x81: {  	_ =	shalt  }
0x82: {  	_ =	shalt  }
0x83: {  	_ =	shalt  }
0x84: {  	_ =	shalt  }
0x85: {  	_ =	shalt  }
0x86: {  	_ =	shalt  }
0x87: {  	_ =	shalt  }
.Lfunc_end0:
.L_simem_size_0:
called_computation.2_lowered:
.L_overlay_start_0:
0x88: {  	s2 =	sld [smem:$0x3FD9]  }
0x89: {  	s3 =	sld [smem:$0x3FFE];
	_ =	sdelay $0x1  }
0x8a: {  	s1 =	srdreg.scid  }
0x8b: {  	s0 =	sand.u32 $0x1, s1  }
0x8c: {  	s17 =	sshll.u32 s0, $0xA;
	s2 =	sadd.s32 s3, s2  }
0x8d: {  	s2 =	sadd.s32 s2, s17  }
0x8e: {  	[smem:$0x3FB3] =	sst s2  }
0x8f: {  	_ = 	snop  }
0x90: {  	s2 =	sld [smem:$0x3FD0];
	(tm) =	ssettm $0x1  }
0x91: {  	s18 =	sld [smem:$0x3FFB];
	_ =	sdelay $0x3  }
0x92: {  	_ =	strace s18  }
0x93: {  	s3 =	sld [smem:$0x3FFC];
	_ =	sdelay $0x3  }
0x94: {  	_ =	strace s3  }
0x95: {  	s3 =	sld [smem:$0x3FFD];
	_ =	sdelay $0x3  }
0x96: {  	_ =	strace s3  }
0x97: {  	_ =	strace $0x8FFFFFFF  }
0x98: {  	s19 =	sld [smem:$0x3FDB];
	_ =	sdelay $0x1  }
0x99: {  	s4 =	simm.s32 $_scs_section_size  }
0x9a: {  	s5 =	simm.s32 $_size__tile_overlayer_lowered;
	s6 =	simm.s32 $_tile_overlayer_lowered  }
0x9b: {  	s22 =	simm.s32 $0x1BFF;
	s21 =	sshll.u32 s6, $0x1;
	s3 =	sadd.s32 s4, s19  }
0x9c: {  	s7 =	simm.s32 $0x0;
	s20 =	sshll.u32 s5, $0x1;
	s5 =	sadd.s32 s21, s3  }
0x9d: {  	[timem:s7], [sflag:s22] =	dma.local [hbm:s5], s20  }
0x9e: {  	_ =	swait.ge [sflag:s22], s20  }
0x9f: {  	s4 =	ssub.s32 $0x0, s20;
	[sflag:s22] =	ssyncset.done $0x0  }
0xa0: {  	[sflag:s22] =	ssyncadd.s32 s4;
	_ =	sdelay $0x1  }
0xa1: {  	s23 =	simm.s32 $0x1B8B  }
0xa2: {  	_ =	swait.ge [sflag:s23], $0x1  }
0xa3: {  	[sflag:s23] =	ssyncset.done $0x0  }
0xa4: {  	s25 =	simm.s32 $0x1B8E;
	s24 =	sld [smem:$0x3FFE];
	[sflag:s23] =	ssyncadd.s32 $0xFFFFFFFF  }
0xa5: {  	s26 =	simm.s32 $execute0_lowered;
	[smem:$0x3FD2] =	sst s25  }
0xa6: {  	s5 =	sshll.u32 s26, $0x1;
	_ =	strace $0x8000004C;
	[dreg:$0x1] =	wrdreg $0xFFFFFFFF  }
0xa7: {  	s28 =	simm.s32 $_size_execute0_lowered;
	s3 =	sadd.s32 s3, s5;
	[dreg:$0x0] =	wrdreg $0x0  }
0xa8: {  	s5 =	sshll.u32 s28, $0x1;
	[dreg:$0x2] =	wrdreg s3  }
0xa9: {  	[dreg:$0x3] =	wrdreg s5  }
0xaa: {  	[dreg:$0x4] =	wrdreg $0xC0  }
0xab: {  	_ =	task [dreg:s7], $0x5FFFF  }
0xac: {  	[dreg:$0x1] =	wrdreg $0xFFFFFFFF  }
0xad: {  	[dreg:$0x0] =	wrdreg $0x60  }
0xae: {  	[dreg:$0x2] =	wrdreg s2  }
0xaf: {  	[dreg:$0x3] =	wrdreg s24  }
0xb0: {  	[dreg:$0x4] =	wrdreg $0xA9000  }
0xb1: {  	[dreg:$0x5] =	wrdreg $0x9  }
0xb2: {  	_ =	task.clear_ibuf [dreg:s7], $0x6FFFF;
	_ =	strace $0x9000004C  }
0xb3: {  	s29 =	simm.s32 $0x9;
	_ =	strace $0x8000004E  }
0xb4: {  	_ =	swait.ge [sflag:s29], $0x1  }
0xb5: {  	[sflag:s29] =	ssyncadd.s32 $0xFFFFFFFF  }
0xb6: {  	_ =	strace $0x9000004E  }
0xb7: {  	_ =	sfence  }
0xb8: {  	s30 =	sld [smem:$0x0];
	_ =	sdelay $0x2  }
0xb9: {  	s31 =	sshll.u32 s1, $0xD;
	s1 =	sshrl.u32 s1, $0x2  }
0xba: {  	s3 =	sand.u32 $0x4000, s31;
	s1 =	sadd.s32 s1, s30  }
0xbb: {  	s0 =	sor.u32 s3, s0;
	s1 =	sshll.u32 s1, $0x11  }
0xbc: {  	s0 =	sor.u32 s1, s0  }
0xbd: {  	s0 =	sadd.s32 $0x8F2B, s0  }
0xbe: {  	[sflag:s0] =	ssyncadd.remote.s32 $0x1  }
0xbf: {  	_ =	sfence.sel $0xFFFF  }
0xc0: {  	[dreg:$0x0] =	wrdreg $0xFFFFFFFF;
	(pc) =	sbr.abs _section_cstart, $3  }
0xc1: {  	[dreg:$0x1] =	wrdreg $0xFFFFFFFF  }
0xc2: {  	_ =	task.clear_ibuf [dreg:s7], $0x2FFFF;
	_ =	strace $0x9FFFFFFF  }
0xc3: {  	(tm) =	ssettm $0x7FFFFFFF  }
tec
execute0_lowered:
.L_overlay_start_1:
0x0: {  	(tag) =	ssettag $0x1  }
0x1: {  	s1 =	rddreg [dreg:$0x0]  }
0x2: {  	s6 =	rddreg [dreg:$0x1]  }
0x3: {  	s0 =	srdreg.scid;
	s3 =	rddreg [dreg:$0x2];
	s4 =	simm.s32 $0x0  }
0x4: {  	s16 =	simm.s32 $0x2900;
	s17 =	simm.s32 $0x2880;
	s18 =	simm.s32 $0x6900  }
0x5: {  	s19 =	simm.s32 $0x3;
	s5 =	sand.u32 $0x1, s0;
	s0 =	stileid.u32  }
0x6: {  	s20 =	simm.s32 $0x1;
	s21 =	simm.s32 $0x4;
	s8 =	smul.u32 $0x500, s0  }
0x7: {  	s22 =	simm.s32 $0x2;
	s23 =	simm.s32 $0x0;
	s9 =	smul.u32 $0x2780, s0  }
0x8: {  	[smem:$0x7FF] =	sst s4;
	s2 =	sshll.u32 s5, $0x4;
	s10 =	smul.u32 $0x27800, s5  }
0x9: {  	s5 =	ssub.s32 $0x2, s5;
	s28 =	smul.u32 $0x4F000, s0;
	s2 =	sor.u32 s0, s2  }
0xa: {  	s31 =	sshll.u32 s0, $0x6;
	s29 =	sshrl.u32 s5, $0x1;
	s7 =	smul.u32 $0x500, s2  }
0xb: {  	s2 =	rddreg [dreg:$0x3];
	_ =	strace $0x8000004D;
	s11 =	sadd.s32 s8, s6  }
0xc: {  	s12 =	sadd.s32 s9, s6;
	s9 =	sadd.s32 s9, s10;
	s30 =	sshrl.u32 s28, $0x2  }
0xd: {  	s14 =	ssub.s32 s5, s29;
	s13 =	sadd.s32 s9, s6;
	s15 =	sadd.s32 s30, s3  }
0xe: {  	s5 =	sadd.s32 $0x3A200, s12;
	s8 =	sadd.s32 $0x4000, s11;
	s9 =	sadd.s32 $0x4010, s11  }
0xf: {  	s11 =	smax.u32 s14, $0x1;
	s14 =	simm.s32 $0x2800;
	s7 =	sadd.s32 s7, s6  }
0x10: {  	s6 =	sor.u32 $0x1C05, s31;
	s10 =	sadd.s32 $0x61A00, s13;
	s12 =	sshrl.u32 s15, $0x3  }
0x11: {  	s13 =	simm.s32 $0x5;
	s15 =	simm.s32 $0x80;
	s7 =	sadd.s32 $0x9000, s7  }
.LBB2_1:
0x12: {  	[spmem:s12], [sflag:s6] =	dma.local [hbm:s5], $0x2780  }
0x13: {  	_ =	swait.ge [sflag:s13], $0x2780  }
0x14: {  	[sflag:s13] =	ssyncset.done $0x0  }
0x15: {  	[sflag:s13] =	ssyncadd.s32 $0xFFFFD880  }
0x16: {  	[tilespmem:s4], [sflag:$0x5] =	stream.linear.gather [hbm4b:s7+s4], $0x2800, $0x38;
	[tilespmem:$0x1E500] =	vst v63  }
0x17: {  	_ =	swait.ge [sflag:s13], $0x2800  }
0x18: {  	[sflag:s13] =	ssyncset.done $0x0  }
0x19: {  	[sflag:s13] =	ssyncadd.s32 $0xFFFFD800  }
0x1a: {  	[bflag:$0x0] =	sbarrier.arrive $0xFFFF  }
0x1b: {  	[tilespmem:s14], [sflag:$0x3] =	stream.linear.gather [hbm4b:s8+s4], $0x80, $0x38;
	[tilespmem:$0x1E500] =	vst v63  }
0x1c: {  	_ = 	snop  }
0x1d: {  	[tilespmem:s16], [sflag:$0x1] =	stream.indirect.gather [hbm4b:s1+s15], $0x80, s4, s15, $0xb8;
	[tilespmem:$0x1E500] =	vst v63  }
0x1e: {  	_ = 	snop  }
0x1f: {  	[tilespmem:s17], [sflag:$0x4] =	stream.linear.gather [hbm4b:s9+s4], $0x80, $0x38;
	[tilespmem:$0x1E500] =	vst v63  }
0x20: {  	_ = 	snop  }
0x21: {  	[tilespmem:s18], [sflag:$0x2] =	stream.indirect.gather [hbm4b:s1+s15], $0x80, s15, s15, $0xb8;
	[tilespmem:$0x1E500] =	vst v63  }
0x22: {  	_ =	swait.ge [sflag:s19], $0x80  }
0x23: {  	[sflag:s19] =	ssyncset.done $0x0  }
0x24: {  	[sflag:s19] =	ssyncadd.s32 $0xFFFFFF80  }
0x25: {  	_ =	swait.ge [sflag:s20], $0x4000  }
0x26: {  	[sflag:s20] =	ssyncset.done $0x0  }
0x27: {  	[sflag:s20] =	ssyncadd.s32 $0xFFFFC000  }
0x28: {  	[spmem:s3] =	stream.indirect.scatter.add.f32 [tilespmem:s16], [sflag:$0x5], $0x80, s14, s15, $0xb8;
	[tilespmem:$0x1E500] =	vst v63  }
0x29: {  	_ =	swait.ge [sflag:s13], $0x4000  }
0x2a: {  	s24 =	sadd.s32 $0xFFFFFB20, s8;
	[sflag:s13] =	ssyncset.done $0x0  }
0x2b: {  	s25 =	sadd.s32 $0x500, s24;
	[sflag:s13] =	ssyncadd.s32 $0xFFFFC000  }
0x2c: {  	[tilespmem:s14], [sflag:$0x3] =	stream.linear.gather [hbm4b:s25+s4], $0x80, $0x38;
	[tilespmem:$0x1E500] =	vst v63  }
0x2d: {  	s31 =	simm.s32 $0x100  }
0x2e: {  	[tilespmem:s16], [sflag:$0x1] =	stream.indirect.gather [hbm4b:s1+s15], $0x80, s31, s15, $0xb8;
	[tilespmem:$0x1E500] =	vst v63  }
0x2f: {  	_ =	swait.ge [sflag:s21], $0x80  }
0x30: {  	[sflag:s21] =	ssyncset.done $0x0  }
0x31: {  	[sflag:s21] =	ssyncadd.s32 $0xFFFFFF80  }
0x32: {  	_ =	swait.ge [sflag:s22], $0x4000  }
0x33: {  	[sflag:s22] =	ssyncset.done $0x0  }
0x34: {  	[sflag:s22] =	ssyncadd.s32 $0xFFFFC000  }
0x35: {  	[spmem:s3] =	stream.indirect.scatter.add.f32 [tilespmem:s18], [sflag:$0x5], $0x80, s17, s15, $0xb8;
	[tilespmem:$0x1E500] =	vst v63  }
0x36: {  	_ =	swait.ge [sflag:s13], $0x4000  }
0x37: {  	[sflag:s13] =	ssyncset.done $0x0  }
0x38: {  	s24 =	sadd.s32 $0x510, s24;
	[sflag:s13] =	ssyncadd.s32 $0xFFFFC000  }
0x39: {  	[tilespmem:s17], [sflag:$0x4] =	stream.linear.gather [hbm4b:s24+s4], $0x80, $0x38;
	[tilespmem:$0x1E500] =	vst v63  }
0x3a: {  	s26 =	simm.s32 $0x180;
	s25 =	simm.s32 $0x200;
	s24 =	simm.s32 $0xFFFFFB40  }
.LBB2_2:
0x3b: {  	[tilespmem:s18], [sflag:$0x2] =	stream.indirect.gather [hbm4b:s1+s15], $0x80, s26, s15, $0xb8;
	[tilespmem:$0x1E500] =	vst v63  }
0x3c: {  	s26 =	smov.u32 s24  }
0x3d: {  	p0 =	sne.s32 s24, $0xFFFFFFE0;
	s24 =	sadd.s32 $0x20, s24;
	_ =	swait.ge [sflag:s19], $0x80  }
0x3e: {  	[sflag:s19] =	ssyncset.done $0x0  }
0x3f: {  	[sflag:s19] =	ssyncadd.s32 $0xFFFFFF80  }
0x40: {  	_ =	swait.ge [sflag:s20], $0x4000  }
0x41: {  	[sflag:s20] =	ssyncset.done $0x0  }
0x42: {  	[sflag:s20] =	ssyncadd.s32 $0xFFFFC000  }
0x43: {  	[spmem:s3] =	stream.indirect.scatter.add.f32 [tilespmem:s16], [sflag:$0x5], $0x80, s14, s15, $0xb8;
	[tilespmem:$0x1E500] =	vst v63  }
0x44: {  	_ =	swait.ge [sflag:s13], $0x4000  }
0x45: {  	s26 =	sadd.s32 s26, s8;
	[sflag:s13] =	ssyncset.done $0x0  }
0x46: {  	s28 =	sadd.s32 $0x500, s26;
	[sflag:s13] =	ssyncadd.s32 $0xFFFFC000  }
0x47: {  	[tilespmem:s14], [sflag:$0x3] =	stream.linear.gather [hbm4b:s28+s4], $0x80, $0x38;
	[tilespmem:$0x1E500] =	vst v63  }
0x48: {  	_ = 	snop  }
0x49: {  	[tilespmem:s16], [sflag:$0x1] =	stream.indirect.gather [hbm4b:s1+s15], $0x80, s25, s15, $0xb8;
	[tilespmem:$0x1E500] =	vst v63  }
0x4a: {  	_ =	swait.ge [sflag:s21], $0x80  }
0x4b: {  	[sflag:s21] =	ssyncset.done $0x0  }
0x4c: {  	[sflag:s21] =	ssyncadd.s32 $0xFFFFFF80  }
0x4d: {  	_ =	swait.ge [sflag:s22], $0x4000  }
0x4e: {  	[sflag:s22] =	ssyncset.done $0x0  }
0x4f: {  	[sflag:s22] =	ssyncadd.s32 $0xFFFFC000  }
0x50: {  	[spmem:s3] =	stream.indirect.scatter.add.f32 [tilespmem:s18], [sflag:$0x5], $0x80, s17, s15, $0xb8;
	[tilespmem:$0x1E500] =	vst v63  }
.Ltmp0:
0x51: {  	_ =	swait.ge [sflag:s13], $0x4000;
	(pc) =	sbr.rel @p0 .LBB2_2-.Ltmp0, $4  }
0x52: {  	[sflag:s13] =	ssyncset.done $0x0  }
0x53: {  	s26 =	sadd.s32 $0x510, s26;
	[sflag:s13] =	ssyncadd.s32 $0xFFFFC000  }
0x54: {  	[tilespmem:s17], [sflag:$0x4] =	stream.linear.gather [hbm4b:s26+s4], $0x80, $0x38;
	[tilespmem:$0x1E500] =	vst v63  }
0x55: {  	s26 =	sadd.s32 $0x80, s25;
	s25 =	sadd.s32 $0x100, s25  }
0x56: {  	[tilespmem:s18], [sflag:$0x2] =	stream.indirect.gather [hbm4b:s1+s15], $0x80, s26, s15, $0xb8;
	[tilespmem:$0x1E500] =	vst v63  }
0x57: {  	_ =	swait.ge [sflag:s19], $0x80  }
0x58: {  	[sflag:s19] =	ssyncset.done $0x0  }
0x59: {  	[sflag:s19] =	ssyncadd.s32 $0xFFFFFF80  }
0x5a: {  	_ =	swait.ge [sflag:s20], $0x4000  }
0x5b: {  	[sflag:s20] =	ssyncset.done $0x0  }
0x5c: {  	[sflag:s20] =	ssyncadd.s32 $0xFFFFC000  }
0x5d: {  	[spmem:s3] =	stream.indirect.scatter.add.f32 [tilespmem:s16], [sflag:$0x5], $0x80, s14, s15, $0xb8;
	[tilespmem:$0x1E500] =	vst v63  }
0x5e: {  	_ =	swait.ge [sflag:s13], $0x4000  }
0x5f: {  	[sflag:s13] =	ssyncset.done $0x0  }
0x60: {  	[sflag:s13] =	ssyncadd.s32 $0xFFFFC000  }
0x61: {  	_ =	swait.ge [sflag:s21], $0x80  }
0x62: {  	[sflag:s21] =	ssyncset.done $0x0  }
0x63: {  	[sflag:s21] =	ssyncadd.s32 $0xFFFFFF80  }
0x64: {  	_ =	swait.ge [sflag:s22], $0x4000  }
0x65: {  	[sflag:s22] =	ssyncset.done $0x0  }
0x66: {  	[sflag:s22] =	ssyncadd.s32 $0xFFFFC000  }
0x67: {  	[spmem:s3] =	stream.indirect.scatter.add.f32 [tilespmem:s18], [sflag:$0x5], $0x80, s17, s15, $0xb8;
	[tilespmem:$0x1E500] =	vst v63  }
0x68: {  	_ =	swait.ge [sflag:s13], $0x4000  }
0x69: {  	s23 =	sadd.s32 $0x1, s23;
	[sflag:s13] =	ssyncset.done $0x0  }
0x6a: {  	p0 =	sne.s32 s23, s11;
	[sflag:s13] =	ssyncadd.s32 $0xFFFFC000  }
.Ltmp1:
0x6b: {  	[bflag:$0x0] =	sbarrier.arrive $0xFFFF;
	(pc) =	sbr.rel @p0 .LBB2_1-.Ltmp1, $4  }
0x6c: {  	[hbm:s10], [sflag:s6] =	dma.local [spmem:s12], $0x2780  }
0x6d: {  	_ =	swait.ge [sflag:s13], $0x2780  }
0x6e: {  	[sflag:s13] =	ssyncset.done $0x0  }
0x6f: {  	[sflag:s13] =	ssyncadd.s32 $0xFFFFD880  }
0x70: {  	_ =	sfence.sel $0x180000  }
0x71: {  	[bflag:$0x0] =	sbarrier.arrive $0xFFFF  }
0x72: {  	p0 =	sne.s32 s0, $0x0;
	_ =	strace $0x9000004D  }
0x73: {  	s0 =	sadd.s32 @!p0 $0x100000, s2;
	[bflag:$0x2] =	sbarrier.arrive $0xFFFF  }
0x74: {  	[sflag:s0] =	ssyncadd.tile.s32 @!p0 $0x1;
	_ =	shalt  }
.Lfunc_end2:
_tile_overlayer_lowered:
.L_overlay_start_2:
0x75: {  	(tag) =	ssettag $0x2  }
0x76: {  	s0 =	rddreg [dreg:$0x0];
	s2 =	stileid.u32  }
0x77: {  	s1 =	rddreg [dreg:$0x1];
	p0 =	sne.s32 s2, $0x0  }
0x78: {  	s3 =	rddreg [dreg:$0x2];
	[bflag:$0x3] =	sbarrier.arrive $0xFFFF;
	s2 =	simm.s32 @!p0 $0x1C05  }
0x79: {  	[timem:s3], [sflag:s2] =	dma.local @!p0 [hbm:s0], s1  }
0x7a: {  	s0 =	simm.s32 @!p0 $0x5  }
0x7b: {  	_ =	swait.ge @!p0 [sflag:s0], s1  }
0x7c: {  	s1 =	ssub.s32 @!p0 $0x0, s1;
	[sflag:s0] =	ssyncset.done @!p0 $0x0  }
0x7d: {  	[sflag:s0] =	ssyncadd.s32 @!p0 s1  }
0x7e: {  	[bflag:$0x3] =	sbarrier.arrive $0xFFFF  }
0x7f: {  	_ =	shalt  }

// kernel: kernel.8.cloned.1.call-start
scs
__scs_entry_jumppad:
0x0: {  	(pc) =	sbr.rel $0x88, $3  }
0x1: {  	(tag) =	ssettag $0x0;
	lr =	simm.s32 $0x1  }
0x2: {  	[smem:$0x3F8C] =	sst lr;
	_ =	strace $0xD0000000  }
0x3: {  	_ = 	snop  }
0x4: {  	_ = 	snop  }
0x5: {  	_ = 	snop  }
0x6: {  	_ = 	snop  }
0x7: {  	_ = 	snop  }
__scs_overlays_trampoline_lowered:
0x8: {  	[smem:$0x3F9B] =	sst s0  }
0x9: {  	[smem:$0x3F9C] =	sst s1  }
0xa: {  	[smem:$0x3F9D] =	sst s2  }
0xb: {  	[smem:$0x3F9E] =	sst s3  }
0xc: {  	[smem:$0x3F9F] =	sst s4  }
0xd: {  	[smem:$0x3FA0] =	sst s5  }
0xe: {  	[smem:$0x3FA1] =	sst s6  }
0xf: {  	[smem:$0x3FA2] =	sst s7  }
0x10: {  	[smem:$0x3FA3] =	sst s8  }
0x11: {  	[smem:$0x3FA4] =	sst s9;
	s0 =	simm.s32 @!p0 $0x0  }
0x12: {  	s1 =	sld [smem:$0x3F8A];
	s0 =	simm.s32 @p0 $0x1  }
0x13: {  	[smem:$0x3FA5] =	sst s0;
	s0 =	simm.s32 @!p1 $0x0  }
0x14: {  	s2 =	sld [smem:$0x3F89];
	s0 =	simm.s32 @p1 $0x1  }
0x15: {  	[smem:$0x3FA6] =	sst s0;
	s0 =	simm.s32 @!p2 $0x0  }
0x16: {  	s3 =	sld [smem:$0x3FDB];
	s0 =	simm.s32 @p2 $0x1  }
0x17: {  	s4 =	simm.s32 $0x1BF5;
	[smem:$0x3FA8] =	sst s0  }
0x18: {  	s0 =	sld [smem:$0x3F8B];
	_ =	swait.ge [sflag:s4], $0x0  }
0x19: {  	s7 =	sld [smem:$0x3F8C]  }
0x1a: {  	s8 =	sadd.s32 $0xFFFFE003, lr  }
0x1b: {  	s9 =	sadd.s32 $0xFFFFFEF7, lr;
	s5 =	simm.s32 $0xFFFFFFFF;
	p2 =	slt.u32 s8, $0xFFFFF086  }
0x1c: {  	p1 =	slt.u32 s9, $0xF7A;
	s5 =	simm.s32 @!p2 $0x0  }
0x1d: {  	s5 =	simm.s32 @p1 $0x1;
	p0 =	seq.s32 s7, s2  }
0x1e: {  	s7 =	smul.u32 @!p0 $0xF7A, s2;
	p2 =	seq.s32 @!p0 s5, $0x0  }
0x1f: {  	s9 =	smul.u32 $0xF7A, s1;
	s8 =	simm.s32 @!p0 $0x1BF5;
	p2 =	por !p2, p0  }
0x20: {  	[sflag:s8] =	ssyncset.s32 @!p0 $0xFFFFF086;
	s6 =	sadd.s32 @!p0 s3, s7;
	s7 =	simm.s32 @!p0 $0x108  }
0x21: {  	s3 =	sadd.s32 s3, s9;
	s6 =	sadd.s32 @!p0 $0x88, s6;
	s7 =	simm.s32 @p2 $0x1082  }
0x22: {  	[simem:s7], [sflag:s8] =	dma.local @!p0 [hbm:s6], $0xF7A  }
0x23: {  	s9 =	sor.u32 $0xD0000000, s2;
	s6 =	simm.s32 $0x108;
	_ =	swait.ge @!p0 [sflag:s8], $0x0  }
0x24: {  	s3 =	sadd.s32 $0x88, s3;
	s6 =	simm.s32 @!p1 $0x1082;
	[sflag:s4] =	ssyncset.s32 $0xFFFFF086  }
0x25: {  	[simem:s6], [sflag:s4] =	dma.local [hbm:s3], $0xF7A  }
0x26: {  	[smem:$0x3F8C] =	sst s1;
	(tag) =	ssettag s2;
	_ =	strace s9  }
0x27: {  	s1 =	sld [smem:$0x3F9C]  }
0x28: {  	s2 =	sld [smem:$0x3F9D]  }
0x29: {  	s4 =	sld [smem:$0x3F9F]  }
0x2a: {  	p0 =	seq.s32 s5, $0x0;
	s5 =	sld [smem:$0x3FA0]  }
0x2b: {  	s6 =	sld [smem:$0x3FA1]  }
0x2c: {  	s7 =	sld [smem:$0x3FA2]  }
0x2d: {  	s3 =	simm.s32 $0x108;
	s8 =	sld [smem:$0x3FA3]  }
0x2e: {  	s3 =	simm.s32 @!p0 $0x1082;
	s9 =	sld [smem:$0x3FA4]  }
0x2f: {  	lr =	sadd.s32 s0, s3;
	s0 =	sld [smem:$0x3F9B]  }
0x30: {  	s3 =	sld [smem:$0x3F9E]  }
0x31: {  	[smem:$0x3FA7] =	sst s10  }
0x32: {  	s10 =	sld [smem:$0x3FA5];
	_ =	sdelay $0x3  }
0x33: {  	p0 =	seq.s32 s10, $0x1;
	s10 =	sld [smem:$0x3FA7];
	_ =	sdelay $0x3  }
0x34: {  	[smem:$0x3FA7] =	sst s10  }
0x35: {  	s10 =	sld [smem:$0x3FA6];
	_ =	sdelay $0x3  }
0x36: {  	p1 =	seq.s32 s10, $0x1;
	s10 =	sld [smem:$0x3FA7];
	_ =	sdelay $0x3  }
0x37: {  	[smem:$0x3FA7] =	sst s10  }
0x38: {  	s10 =	sld [smem:$0x3FA8]  }
0x39: {  	_ = 	snop;
	(pc) =	sbr.ind lr, $3  }
0x3a: {  	_ = 	snop  }
0x3b: {  	_ = 	snop  }
0x3c: {  	p2 =	seq.s32 s10, $0x1;
	s10 =	sld [smem:$0x3FA7]  }
0x3d: {  	_ =	shalt  }
0x3e: {  	_ =	shalt  }
0x3f: {  	_ =	shalt  }
0x40: {  	_ =	shalt  }
0x41: {  	_ =	shalt  }
0x42: {  	_ =	shalt  }
0x43: {  	_ =	shalt  }
0x44: {  	_ =	shalt  }
0x45: {  	_ =	shalt  }
0x46: {  	_ =	shalt  }
0x47: {  	_ =	shalt  }
0x48: {  	_ =	shalt  }
0x49: {  	_ =	shalt  }
0x4a: {  	_ =	shalt  }
0x4b: {  	_ =	shalt  }
0x4c: {  	_ =	shalt  }
0x4d: {  	_ =	shalt  }
0x4e: {  	_ =	shalt  }
0x4f: {  	_ =	shalt  }
0x50: {  	_ =	shalt  }
0x51: {  	_ =	shalt  }
0x52: {  	_ =	shalt  }
0x53: {  	_ =	shalt  }
0x54: {  	_ =	shalt  }
0x55: {  	_ =	shalt  }
0x56: {  	_ =	shalt  }
0x57: {  	_ =	shalt  }
0x58: {  	_ =	shalt  }
0x59: {  	_ =	shalt  }
0x5a: {  	_ =	shalt  }
0x5b: {  	_ =	shalt  }
0x5c: {  	_ =	shalt  }
0x5d: {  	_ =	shalt  }
0x5e: {  	_ =	shalt  }
0x5f: {  	_ =	shalt  }
0x60: {  	_ =	shalt  }
0x61: {  	_ =	shalt  }
0x62: {  	_ =	shalt  }
0x63: {  	_ =	shalt  }
0x64: {  	_ =	shalt  }
0x65: {  	_ =	shalt  }
0x66: {  	_ =	shalt  }
0x67: {  	_ =	shalt  }
0x68: {  	_ =	shalt  }
0x69: {  	_ =	shalt  }
0x6a: {  	_ =	shalt  }
0x6b: {  	_ =	shalt  }
0x6c: {  	_ =	shalt  }
0x6d: {  	_ =	shalt  }
0x6e: {  	_ =	shalt  }
0x6f: {  	_ =	shalt  }
0x70: {  	_ =	shalt  }
0x71: {  	_ =	shalt  }
0x72: {  	_ =	shalt  }
0x73: {  	_ =	shalt  }
0x74: {  	_ =	shalt  }
0x75: {  	_ =	shalt  }
0x76: {  	_ =	shalt  }
0x77: {  	_ =	shalt  }
0x78: {  	_ =	shalt  }
0x79: {  	_ =	shalt  }
0x7a: {  	_ =	shalt  }
0x7b: {  	_ =	shalt  }
0x7c: {  	_ =	shalt  }
0x7d: {  	_ =	shalt  }
0x7e: {  	_ =	shalt  }
0x7f: {  	_ =	shalt  }
0x80: {  	_ =	shalt  }
0x81: {  	_ =	shalt  }
0x82: {  	_ =	shalt  }
0x83: {  	_ =	shalt  }
0x84: {  	_ =	shalt  }
0x85: {  	_ =	shalt  }
0x86: {  	_ =	shalt  }
0x87: {  	_ =	shalt  }
.Lfunc_end0:
.L_simem_size_0:
called_computation_lowered:
.L_overlay_start_0:
0x88: {  	s2 =	sld [smem:$0x3FD9]  }
0x89: {  	s3 =	sld [smem:$0x3FFE];
	_ =	sdelay $0x1  }
0x8a: {  	s1 =	srdreg.scid  }
0x8b: {  	s0 =	sand.u32 $0x1, s1  }
0x8c: {  	s17 =	sshll.u32 s0, $0xA;
	s2 =	sadd.s32 s3, s2  }
0x8d: {  	s2 =	sadd.s32 s2, s17  }
0x8e: {  	[smem:$0x3FB3] =	sst s2  }
0x8f: {  	_ = 	snop  }
0x90: {  	(tm) =	ssettm $0x1  }
0x91: {  	s18 =	sld [smem:$0x3FFB];
	_ =	sdelay $0x3  }
0x92: {  	_ =	strace s18  }
0x93: {  	s2 =	sld [smem:$0x3FFC];
	_ =	sdelay $0x3  }
0x94: {  	_ =	strace s2  }
0x95: {  	s2 =	sld [smem:$0x3FFD];
	_ =	sdelay $0x3  }
0x96: {  	_ =	strace s2  }
0x97: {  	_ =	strace $0x8FFFFFFF  }
0x98: {  	s19 =	sld [smem:$0x3FDB];
	_ =	sdelay $0x1  }
0x99: {  	s20 =	simm.s32 $_scs_section_size  }
0x9a: {  	s4 =	simm.s32 $_size__tile_overlayer_lowered;
	s5 =	simm.s32 $_tile_overlayer_lowered  }
0x9b: {  	s6 =	simm.s32 $0x1BFF;
	s21 =	sshll.u32 s5, $0x1;
	s3 =	sadd.s32 s20, s19  }
0x9c: {  	s22 =	simm.s32 $0x0;
	s4 =	sshll.u32 s4, $0x1;
	s5 =	sadd.s32 s21, s3  }
0x9d: {  	[timem:s22], [sflag:s6] =	dma.local [hbm:s5], s4  }
0x9e: {  	_ =	swait.ge [sflag:s6], s4  }
0x9f: {  	s4 =	ssub.s32 $0x0, s4;
	[sflag:s6] =	ssyncset.done $0x0  }
0xa0: {  	[sflag:s6] =	ssyncadd.s32 s4;
	_ =	sdelay $0x1  }
0xa1: {  	s23 =	simm.s32 $0x1B8B  }
0xa2: {  	_ =	swait.ge [sflag:s23], $0x1  }
0xa3: {  	[sflag:s23] =	ssyncset.done $0x0  }
0xa4: {  	[sflag:s23] =	ssyncadd.s32 $0xFFFFFFFF  }
0xa5: {  	s4 =	sld [smem:$0x0]  }
0xa6: {  	s5 =	sand.u32 $0xFFFFFFFE, s1  }
0xa7: {  	p0 =	sne.s32 s1, s5  }
0xa8: {  	s5 =	sshll.u32 @p0 s5, $0xE  }
0xa9: {  	s5 =	sadd.s32 @p0 $0x11B8D, s5;
	s6 =	sshll.u32 @p0 s4, $0x11  }
0xaa: {  	s5 =	sor.u32 @p0 s6, s5  }
0xab: {  	[sflag:s5] =	ssyncadd.remote.s32 @p0 $0x1;
	_ =	sdelay $0x1  }
0xac: {  	s5 =	simm.s32 @p0 $0x1B8D  }
0xad: {  	_ =	swait.eq @p0 [sflag:s5], $0x1  }
0xae: {  	[sflag:s5] =	ssyncadd.s32 @p0 $0xFFFFFFFF  }
0xaf: {  	s6 =	sshll.u32 @!p0 s1, $0xE  }
0xb0: {  	s6 =	sor.u32 @!p0 $0x4000, s6;
	s5 =	simm.s32 @!p0 $0x1B8D  }
0xb1: {  	s4 =	sshll.u32 @!p0 s4, $0x11;
	s6 =	sadd.s32 @!p0 $0x11B8D, s6;
	_ =	swait.eq @!p0 [sflag:s5], $0x1  }
0xb2: {  	s4 =	sor.u32 @!p0 s4, s6;
	[sflag:s5] =	ssyncadd.s32 @!p0 $0xFFFFFFFF  }
0xb3: {  	s25 =	simm.s32 $0x1B8E;
	s24 =	sld [smem:$0x3FFE];
	[sflag:s4] =	ssyncadd.remote.s32 @!p0 $0x1  }
0xb4: {  	s26 =	simm.s32 $execute0_lowered;
	[smem:$0x3FD2] =	sst s25  }
0xb5: {  	s5 =	sshll.u32 s26, $0x1;
	_ =	strace $0x80000049;
	[dreg:$0x1] =	wrdreg $0xFFFFFFFF  }
0xb6: {  	s28 =	simm.s32 $_size_execute0_lowered;
	s3 =	sadd.s32 s3, s5;
	[dreg:$0x0] =	wrdreg $0x0  }
0xb7: {  	s5 =	sshll.u32 s28, $0x1;
	[dreg:$0x2] =	wrdreg s3  }
0xb8: {  	[dreg:$0x3] =	wrdreg s5  }
0xb9: {  	[dreg:$0x4] =	wrdreg $0xC0  }
0xba: {  	_ =	task [dreg:s22], $0x5FFFF  }
0xbb: {  	[dreg:$0x1] =	wrdreg $0xFFFFFFFF  }
0xbc: {  	[dreg:$0x0] =	wrdreg $0x60  }
0xbd: {  	[dreg:$0x2] =	wrdreg s24  }
0xbe: {  	[dreg:$0x3] =	wrdreg $0x42000  }
0xbf: {  	[dreg:$0x4] =	wrdreg $0x9  }
0xc0: {  	_ =	task.clear_ibuf [dreg:s22], $0x5FFFF;
	_ =	strace $0x90000049  }
0xc1: {  	s29 =	simm.s32 $0x9;
	_ =	strace $0x8000004B  }
0xc2: {  	_ =	swait.ge [sflag:s29], $0x1  }
0xc3: {  	[sflag:s29] =	ssyncadd.s32 $0xFFFFFFFF  }
0xc4: {  	_ =	strace $0x9000004B  }
0xc5: {  	_ =	sfence  }
0xc6: {  	s30 =	sld [smem:$0x0];
	_ =	sdelay $0x2  }
0xc7: {  	s31 =	sshll.u32 s1, $0xD;
	s1 =	sshrl.u32 s1, $0x2  }
0xc8: {  	s4 =	sand.u32 $0x4000, s31;
	s1 =	sadd.s32 s1, s30  }
0xc9: {  	s0 =	sor.u32 s4, s0;
	s1 =	sshll.u32 s1, $0x11  }
0xca: {  	s0 =	sor.u32 s1, s0  }
0xcb: {  	s0 =	sadd.s32 $0x8F2B, s0  }
0xcc: {  	[sflag:s0] =	ssyncadd.remote.s32 $0x1  }
0xcd: {  	_ =	sfence.sel $0xFFFF  }
0xce: {  	[dreg:$0x0] =	wrdreg $0xFFFFFFFF;
	(pc) =	sbr.abs _section_cstart, $3  }
0xcf: {  	[dreg:$0x1] =	wrdreg $0xFFFFFFFF  }
0xd0: {  	_ =	task.clear_ibuf [dreg:s22], $0x2FFFF;
	_ =	strace $0x9FFFFFFF  }
0xd1: {  	(tm) =	ssettm $0x7FFFFFFF  }
tec
execute0_lowered:
.L_overlay_start_1:
0x0: {  	(tag) =	ssettag $0x1  }
0x1: {  	s0 =	rddreg [dreg:$0x0]  }
0x2: {  	s1 =	rddreg [dreg:$0x1];
	s3 =	simm.s32 $0x0  }
0x3: {  	s4 =	stileid.u32;
	s2 =	srdreg.scid;
	s17 =	simm.s32 $0x9  }
0x4: {  	s18 =	simm.s32 $0x200;
	s19 =	simm.s32 $0x80;
	s28 =	simm.s32 $0x6  }
0x5: {  	s29 =	simm.s32 $0x7;
	s30 =	simm.s32 $0x8;
	s31 =	simm.s32 $0x0  }
0x6: {  	[smem:$0x7FF] =	sst s3;
	s12 =	sadd.s32 $0x4000, s0;
	s5 =	smul.u32 $0x2780, s4  }
0x7: {  	s2 =	sand.u32 $0x1, s2;
	s6 =	sadd.s32 $0xB0A00, s0;
	s9 =	smul.u32 $0x4F000, s4  }
0x8: {  	s24 =	smul.u32 $0x28, s4;
	s26 =	sshll.u32 s4, $0x6;
	_ =	strace $0x8000004A  }
0x9: {  	[dreg:$0x3] =	wrdreg s6;
	s20 =	smul.u32 $0x27800, s2;
	s7 =	sshll.u32 s2, $0x4  }
0xa: {  	s21 =	ssub.s32 $0x2, s2;
	s2 =	smul.u32 $0x280, s2;
	s6 =	sor.u32 $0x1C09, s26  }
0xb: {  	s26 =	simm.s32 $0x5;
	s8 =	sadd.s32 s5, s0;
	s7 =	sor.u32 s4, s7  }
0xc: {  	s22 =	sshrl.u32 s21, $0x1;
	s23 =	sshrl.u32 s9, $0x2;
	s5 =	sadd.s32 s5, s20  }
0xd: {  	s7 =	smul.u32 $0x280, s7;
	s13 =	ssub.s32 s21, s22;
	s16 =	sadd.s32 s23, s1  }
0xe: {  	s25 =	sadd.s32 $0x3A200, s8;
	s2 =	sadd.s32 s24, s2;
	s20 =	simm.s32 $0x100  }
0xf: {  	s21 =	simm.s32 $0x180;
	s22 =	simm.s32 $0x1;
	s23 =	simm.s32 $0x2  }
0x10: {  	s24 =	simm.s32 $0x3;
	s0 =	sadd.s32 s5, s0;
	[dreg:$0x4] =	wrdreg s25  }
0x11: {  	s2 =	sshll.u32 s2, $0x4;
	s13 =	smax.u32 s13, $0x1;
	s16 =	sshrl.u32 s16, $0x3  }
0x12: {  	s25 =	simm.s32 $0x4;
	s7 =	sadd.s32 s12, s7;
	s11 =	sadd.s32 $0xB1200, s0  }
0x13: {  	s12 =	sadd.s32 s2, s12;
	s8 =	sadd.s32 $0x10, s7;
	s9 =	sadd.s32 $0x20, s7  }
0x14: {  	s10 =	sadd.s32 $0x30, s7;
	s14 =	sadd.s32 $0x60, s12;
	s15 =	sadd.s32 $0x40, s12  }
.LBB2_1:
0x15: {  	s0 =	rddreg [dreg:$0x4]  }
0x16: {  	[spmem:s16], [sflag:s6] =	dma.local [hbm:s0], $0x2780  }
0x17: {  	_ =	swait.ge [sflag:s17], $0x2780  }
0x18: {  	[sflag:s17] =	ssyncset.done $0x0  }
0x19: {  	s5 =	rddreg [dreg:$0x3];
	[sflag:s17] =	ssyncadd.s32 $0xFFFFD880  }
0x1a: {  	[tilespmem:s18], [sflag:$0x9] =	stream.linear.gather [hbm4b:s5+s3], $0x4000, $0x38;
	[tilespmem:$0x17E00] =	vst v63  }
0x1b: {  	_ =	swait.ge [sflag:s17], $0x4000  }
0x1c: {  	[sflag:s17] =	ssyncset.done $0x0  }
0x1d: {  	[sflag:s17] =	ssyncadd.s32 $0xFFFFC000  }
0x1e: {  	[bflag:$0x0] =	sbarrier.arrive $0xFFFF  }
0x1f: {  	[tilespmem:s3], [sflag:$0x1] =	stream.linear.gather [hbm4b:s7+s3], $0x80, $0x38;
	[tilespmem:$0x17E00] =	vst v63  }
0x20: {  	_ = 	snop  }
0x21: {  	[tilespmem:s19], [sflag:$0x2] =	stream.linear.gather [hbm4b:s8+s3], $0x80, $0x38;
	[tilespmem:$0x17E00] =	vst v63  }
0x22: {  	_ = 	snop  }
0x23: {  	[tilespmem:s20], [sflag:$0x3] =	stream.linear.gather [hbm4b:s9+s3], $0x80, $0x38;
	[tilespmem:$0x17E00] =	vst v63  }
0x24: {  	_ = 	snop  }
0x25: {  	[tilespmem:s21], [sflag:$0x4] =	stream.linear.gather [hbm4b:s10+s3], $0x80, $0x38;
	[tilespmem:$0x17E00] =	vst v63  }
0x26: {  	_ =	swait.ge [sflag:s22], $0x80  }
0x27: {  	[sflag:s22] =	ssyncset.done $0x0  }
0x28: {  	[sflag:s22] =	ssyncadd.s32 $0xFFFFFF80  }
0x29: {  	[spmem:s1] =	stream.indirect.scatter.add.f32 [tilespmem:s18], [sflag:$0x5], $0x80, s3, s19, $0xb8;
	[tilespmem:$0x17E00] =	vst v63  }
0x2a: {  	_ =	swait.ge [sflag:s23], $0x80  }
0x2b: {  	[sflag:s23] =	ssyncset.done $0x0  }
0x2c: {  	[sflag:s23] =	ssyncadd.s32 $0xFFFFFF80  }
0x2d: {  	[spmem:s1] =	stream.indirect.scatter.add.f32 [tilespmem:s18], [sflag:$0x6], $0x80, s19, s19, $0xb8;
	[tilespmem:$0x17E00] =	vst v63  }
0x2e: {  	_ =	swait.ge [sflag:s24], $0x80  }
0x2f: {  	[sflag:s24] =	ssyncset.done $0x0  }
0x30: {  	[sflag:s24] =	ssyncadd.s32 $0xFFFFFF80  }
0x31: {  	[spmem:s1] =	stream.indirect.scatter.add.f32 [tilespmem:s18], [sflag:$0x7], $0x80, s20, s19, $0xb8;
	[tilespmem:$0x17E00] =	vst v63  }
0x32: {  	_ =	swait.ge [sflag:s25], $0x80  }
0x33: {  	[sflag:s25] =	ssyncset.done $0x0  }
0x34: {  	[sflag:s25] =	ssyncadd.s32 $0xFFFFFF80  }
0x35: {  	[spmem:s1] =	stream.indirect.scatter.add.f32 [tilespmem:s18], [sflag:$0x8], $0x80, s21, s19, $0xb8;
	[tilespmem:$0x17E00] =	vst v63  }
0x36: {  	_ =	swait.ge [sflag:s26], $0x4000  }
0x37: {  	[sflag:s26] =	ssyncset.done $0x0  }
0x38: {  	s2 =	sadd.s32 $0x0, s15;
	[sflag:s26] =	ssyncadd.s32 $0xFFFFC000  }
0x39: {  	[tilespmem:s3], [sflag:$0x1] =	stream.linear.gather [hbm4b:s2+s3], $0x80, $0x38;
	[tilespmem:$0x17E00] =	vst v63  }
0x3a: {  	_ =	swait.ge [sflag:s28], $0x4000  }
0x3b: {  	s2 =	sadd.s32 $0x0, s12;
	[sflag:s28] =	ssyncset.done $0x0  }
0x3c: {  	s4 =	sadd.s32 $0x50, s2;
	[sflag:s28] =	ssyncadd.s32 $0xFFFFC000  }
0x3d: {  	[tilespmem:s19], [sflag:$0x2] =	stream.linear.gather [hbm4b:s4+s3], $0x80, $0x38;
	[tilespmem:$0x17E00] =	vst v63  }
0x3e: {  	_ =	swait.ge [sflag:s29], $0x4000  }
0x3f: {  	[sflag:s29] =	ssyncset.done $0x0  }
0x40: {  	s5 =	sadd.s32 $0x0, s14;
	[sflag:s29] =	ssyncadd.s32 $0xFFFFC000  }
0x41: {  	[tilespmem:s20], [sflag:$0x3] =	stream.linear.gather [hbm4b:s5+s3], $0x80, $0x38;
	[tilespmem:$0x17E00] =	vst v63  }
0x42: {  	_ =	swait.ge [sflag:s30], $0x4000  }
0x43: {  	[sflag:s30] =	ssyncset.done $0x0  }
0x44: {  	s0 =	simm.s32 $0x40;
	s2 =	sadd.s32 $0x70, s2;
	[sflag:s30] =	ssyncadd.s32 $0xFFFFC000  }
.LBB2_2:
0x45: {  	[tilespmem:s21], [sflag:$0x4] =	stream.linear.gather [hbm4b:s2+s3], $0x80, $0x38;
	[tilespmem:$0x17E00] =	vst v63  }
0x46: {  	s2 =	smov.u32 s0  }
0x47: {  	p0 =	sne.s32 s0, $0x200;
	s0 =	sadd.s32 $0x40, s0;
	_ =	swait.ge [sflag:s22], $0x80  }
0x48: {  	[sflag:s22] =	ssyncset.done $0x0  }
0x49: {  	[sflag:s22] =	ssyncadd.s32 $0xFFFFFF80  }
0x4a: {  	[spmem:s1] =	stream.indirect.scatter.add.f32 [tilespmem:s18], [sflag:$0x5], $0x80, s3, s19, $0xb8;
	[tilespmem:$0x17E00] =	vst v63  }
0x4b: {  	_ =	swait.ge [sflag:s23], $0x80  }
0x4c: {  	[sflag:s23] =	ssyncset.done $0x0  }
0x4d: {  	[sflag:s23] =	ssyncadd.s32 $0xFFFFFF80  }
0x4e: {  	[spmem:s1] =	stream.indirect.scatter.add.f32 [tilespmem:s18], [sflag:$0x6], $0x80, s19, s19, $0xb8;
	[tilespmem:$0x17E00] =	vst v63  }
0x4f: {  	_ =	swait.ge [sflag:s24], $0x80  }
0x50: {  	[sflag:s24] =	ssyncset.done $0x0  }
0x51: {  	[sflag:s24] =	ssyncadd.s32 $0xFFFFFF80  }
0x52: {  	[spmem:s1] =	stream.indirect.scatter.add.f32 [tilespmem:s18], [sflag:$0x7], $0x80, s20, s19, $0xb8;
	[tilespmem:$0x17E00] =	vst v63  }
0x53: {  	_ =	swait.ge [sflag:s25], $0x80  }
0x54: {  	[sflag:s25] =	ssyncset.done $0x0  }
0x55: {  	[sflag:s25] =	ssyncadd.s32 $0xFFFFFF80  }
0x56: {  	[spmem:s1] =	stream.indirect.scatter.add.f32 [tilespmem:s18], [sflag:$0x8], $0x80, s21, s19, $0xb8;
	[tilespmem:$0x17E00] =	vst v63  }
0x57: {  	_ =	swait.ge [sflag:s26], $0x4000  }
0x58: {  	[sflag:s26] =	ssyncset.done $0x0  }
0x59: {  	s4 =	sadd.s32 s2, s15;
	[sflag:s26] =	ssyncadd.s32 $0xFFFFC000  }
0x5a: {  	[tilespmem:s3], [sflag:$0x1] =	stream.linear.gather [hbm4b:s4+s3], $0x80, $0x38;
	[tilespmem:$0x17E00] =	vst v63  }
0x5b: {  	_ =	swait.ge [sflag:s28], $0x4000  }
0x5c: {  	s4 =	sadd.s32 s2, s12;
	[sflag:s28] =	ssyncset.done $0x0  }
0x5d: {  	s5 =	sadd.s32 $0x50, s4;
	[sflag:s28] =	ssyncadd.s32 $0xFFFFC000  }
0x5e: {  	[tilespmem:s19], [sflag:$0x2] =	stream.linear.gather [hbm4b:s5+s3], $0x80, $0x38;
	[tilespmem:$0x17E00] =	vst v63  }
0x5f: {  	_ =	swait.ge [sflag:s29], $0x4000  }
0x60: {  	[sflag:s29] =	ssyncset.done $0x0  }
.Ltmp0:
0x61: {  	s2 =	sadd.s32 s2, s14;
	[sflag:s29] =	ssyncadd.s32 $0xFFFFC000;
	(pc) =	sbr.rel @p0 .LBB2_2-.Ltmp0, $4  }
0x62: {  	[tilespmem:s20], [sflag:$0x3] =	stream.linear.gather [hbm4b:s2+s3], $0x80, $0x38;
	[tilespmem:$0x17E00] =	vst v63  }
0x63: {  	_ =	swait.ge [sflag:s30], $0x4000  }
0x64: {  	[sflag:s30] =	ssyncset.done $0x0  }
0x65: {  	s2 =	sadd.s32 $0x70, s4;
	[sflag:s30] =	ssyncadd.s32 $0xFFFFC000  }
0x66: {  	[tilespmem:s21], [sflag:$0x4] =	stream.linear.gather [hbm4b:s2+s3], $0x80, $0x38;
	[tilespmem:$0x17E00] =	vst v63  }
0x67: {  	_ =	swait.ge [sflag:s22], $0x80  }
0x68: {  	[sflag:s22] =	ssyncset.done $0x0  }
0x69: {  	[sflag:s22] =	ssyncadd.s32 $0xFFFFFF80  }
0x6a: {  	[spmem:s1] =	stream.indirect.scatter.add.f32 [tilespmem:s18], [sflag:$0x5], $0x80, s3, s19, $0xb8;
	[tilespmem:$0x17E00] =	vst v63  }
0x6b: {  	_ =	swait.ge [sflag:s23], $0x80  }
0x6c: {  	[sflag:s23] =	ssyncset.done $0x0  }
0x6d: {  	[sflag:s23] =	ssyncadd.s32 $0xFFFFFF80  }
0x6e: {  	[spmem:s1] =	stream.indirect.scatter.add.f32 [tilespmem:s18], [sflag:$0x6], $0x80, s19, s19, $0xb8;
	[tilespmem:$0x17E00] =	vst v63  }
0x6f: {  	_ =	swait.ge [sflag:s24], $0x80  }
0x70: {  	[sflag:s24] =	ssyncset.done $0x0  }
0x71: {  	[sflag:s24] =	ssyncadd.s32 $0xFFFFFF80  }
0x72: {  	[spmem:s1] =	stream.indirect.scatter.add.f32 [tilespmem:s18], [sflag:$0x7], $0x80, s20, s19, $0xb8;
	[tilespmem:$0x17E00] =	vst v63  }
0x73: {  	_ =	swait.ge [sflag:s25], $0x80  }
0x74: {  	[sflag:s25] =	ssyncset.done $0x0  }
0x75: {  	[sflag:s25] =	ssyncadd.s32 $0xFFFFFF80  }
0x76: {  	[spmem:s1] =	stream.indirect.scatter.add.f32 [tilespmem:s18], [sflag:$0x8], $0x80, s21, s19, $0xb8;
	[tilespmem:$0x17E00] =	vst v63  }
0x77: {  	_ =	swait.ge [sflag:s26], $0x4000  }
0x78: {  	[sflag:s26] =	ssyncset.done $0x0  }
0x79: {  	[sflag:s26] =	ssyncadd.s32 $0xFFFFC000  }
0x7a: {  	_ =	swait.ge [sflag:s28], $0x4000  }
0x7b: {  	[sflag:s28] =	ssyncset.done $0x0  }
0x7c: {  	[sflag:s28] =	ssyncadd.s32 $0xFFFFC000  }
0x7d: {  	_ =	swait.ge [sflag:s29], $0x4000  }
0x7e: {  	[sflag:s29] =	ssyncset.done $0x0  }
0x7f: {  	[sflag:s29] =	ssyncadd.s32 $0xFFFFC000  }
0x80: {  	_ =	swait.ge [sflag:s30], $0x4000  }
0x81: {  	s31 =	sadd.s32 $0x1, s31;
	[sflag:s30] =	ssyncset.done $0x0  }
0x82: {  	p0 =	sne.s32 s31, s13;
	[sflag:s30] =	ssyncadd.s32 $0xFFFFC000  }
.Ltmp1:
0x83: {  	[bflag:$0x0] =	sbarrier.arrive $0xFFFF;
	(pc) =	sbr.rel @p0 .LBB2_1-.Ltmp1, $4  }
0x84: {  	[hbm:s11], [sflag:s6] =	dma.local [spmem:s16], $0x2780  }
0x85: {  	_ =	swait.ge [sflag:s17], $0x2780  }
0x86: {  	[sflag:s17] =	ssyncset.done $0x0  }
0x87: {  	[sflag:s17] =	ssyncadd.s32 $0xFFFFD880  }
0x88: {  	_ =	sfence.sel $0x180000  }
0x89: {  	[bflag:$0x0] =	sbarrier.arrive $0xFFFF  }
0x8a: {  	_ =	strace $0x9000004A  }
0x8b: {  	s0 =	stileid.u32;
	[bflag:$0x2] =	sbarrier.arrive $0xFFFF  }
0x8c: {  	p0 =	sne.s32 s0, $0x0;
	s0 =	rddreg [dreg:$0x2]  }
0x8d: {  	s0 =	sadd.s32 @!p0 $0x100000, s0  }
0x8e: {  	[sflag:s0] =	ssyncadd.tile.s32 @!p0 $0x1;
	_ =	shalt  }
.Lfunc_end2:
_tile_overlayer_lowered:
.L_overlay_start_2:
0x8f: {  	(tag) =	ssettag $0x2  }
0x90: {  	s0 =	rddreg [dreg:$0x0];
	s2 =	stileid.u32  }
0x91: {  	s1 =	rddreg [dreg:$0x1];
	p0 =	sne.s32 s2, $0x0  }
0x92: {  	s3 =	rddreg [dreg:$0x2];
	[bflag:$0x3] =	sbarrier.arrive $0xFFFF;
	s2 =	simm.s32 @!p0 $0x1C09  }
0x93: {  	[timem:s3], [sflag:s2] =	dma.local @!p0 [hbm:s0], s1  }
0x94: {  	s0 =	simm.s32 @!p0 $0x9  }
0x95: {  	_ =	swait.ge @!p0 [sflag:s0], s1  }
0x96: {  	s1 =	ssub.s32 @!p0 $0x0, s1;
	[sflag:s0] =	ssyncset.done @!p0 $0x0  }
0x97: {  	[sflag:s0] =	ssyncadd.s32 @!p0 s1  }
0x98: {  	[bflag:$0x3] =	sbarrier.arrive $0xFFFF  }
0x99: {  	_ =	shalt  }

</sc_bundles>
